<compile_context>
chip_gen: v7x
topology: tpu7x:2x2x1
jax: 0.10.2.dev20260603
libtpu: 0.0.44.dev20260713+nightly
codegen_flags: <defaults>
</compile_context>

<pallas_src>
import functools

import jax
import jax.numpy as jnp
from jax import lax
from jax.experimental import pallas as pl
from jax.experimental.pallas import tpu as pltpu
from jax.experimental.pallas import tpu_sc as plsc

VOCAB = 100000
DIM = 128
B = 4096
L = 50

NC = 2
NS = 16
NW = NC * NS
BPW = B // NW
CHUNK = 4
CL = CHUNK * L
NSTEPS = BPW // CHUNK
NBUF = 4
PER_VEC = 16 // CHUNK
LANES = 16
ND = DIM // LANES
INV_L = 1.0 / L


def _sigmoid(v):
    return 1.0 / (1.0 + jnp.exp(-v))


_GDN = lax.GatherDimensionNumbers(
    offset_dims=(), collapsed_slice_dims=(0,), start_index_map=(0,)
)


def _shuffle(v, idx):
    return lax.gather(
        v, idx.reshape(LANES, 1), _GDN, (1,),
        mode=lax.GatherScatterMode.PROMISE_IN_BOUNDS,
    )


def _hsum(v):
    for sh in (1, 2, 4, 8):
        v = v + _shuffle(v, lax.iota(jnp.int32, LANES) ^ sh)
    return v


@functools.partial(
    pl.kernel,
    out_type=jax.ShapeDtypeStruct((B,), jnp.float32),
    mesh=plsc.VectorSubcoreMesh(core_axis_name="c", subcore_axis_name="s"),
    scratch_types=[
        pltpu.VMEM((BPW * L,), jnp.int32),
        [pltpu.VMEM((CL, DIM), jnp.float32) for _ in range(NBUF)],
        pltpu.VMEM((DIM + LANES,), jnp.float32),
        pltpu.VMEM((BPW,), jnp.float32),
        [pltpu.SemaphoreType.DMA for _ in range(NBUF)],
    ],
)
def _fused(x_hbm, wb_hbm, emb_hbm, out_hbm, idx_v, bufs, wb_v, out_v, sems):
    wid = lax.axis_index("s") * NC + lax.axis_index("c")
    pltpu.sync_copy(x_hbm.at[wid], idx_v)
    pltpu.sync_copy(wb_hbm, wb_v)

    zero = jnp.zeros((LANES,), jnp.float32)
    for i in range(BPW // LANES):
        out_v[pl.ds(i * LANES, LANES)] = zero

    lanes = lax.iota(jnp.int32, LANES)

    def process(g, buf):
        def per_row(c, part):
            def inner(l, accs):
                r = c * L + l
                return tuple(
                    accs[d] + buf[r, pl.ds(d * LANES, LANES)] for d in range(ND)
                )

            accs = lax.fori_loop(
                0, L, inner,
                tuple(jnp.zeros((LANES,), jnp.float32) for _ in range(ND)),
                unroll=2,
            )
            dot = zero
            for d in range(ND):
                s = _sigmoid(accs[d] * INV_L)
                dot = dot + s * wb_v[pl.ds(d * LANES, LANES)]
            total = _hsum(dot)
            lane = (g % PER_VEC) * CHUNK + c
            return jnp.where(lanes == lane, total, part)

        part = lax.fori_loop(0, CHUNK, per_row, zero)
        off = (g // PER_VEC) * LANES
        out_v[pl.ds(off, LANES)] = out_v[pl.ds(off, LANES)] + part

    def start(g, buf, sem):
        return pltpu.async_copy(
            emb_hbm.at[idx_v.at[pl.ds(g * CL, CL)]], buf, sem
        )

    def drain(buf, sem):
        pltpu.make_async_copy(emb_hbm.at[pl.ds(0, CL)], buf, sem).wait()

    for j in range(NBUF - 1):
        start(j, bufs[j], sems[j])

    def body(t, carry):
        g = t * NBUF
        for j in range(NBUF):
            s = g + j

            @pl.when(s + NBUF - 1 < NSTEPS)
            def _(j=j, s=s):
                nb = (j + NBUF - 1) % NBUF
                start(s + NBUF - 1, bufs[nb], sems[nb])

            drain(bufs[j], sems[j])
            process(s, bufs[j])
        return carry

    lax.fori_loop(0, NSTEPS // NBUF, body, 0)

    bvec = wb_v[pl.ds(DIM, LANES)]
    for i in range(BPW // LANES):
        v = out_v[pl.ds(i * LANES, LANES)]
        out_v[pl.ds(i * LANES, LANES)] = _sigmoid(v + bvec)
    pltpu.sync_copy(out_v, out_hbm.at[pl.ds(wid * BPW, BPW)])


def kernel(x, emb, W, b):
    wb = jnp.concatenate(
        [W.reshape(DIM), jnp.broadcast_to(b.reshape(1), (LANES,))]
    ).astype(jnp.float32)
    return _fused(
        x.astype(jnp.int32).reshape(NW, BPW * L), wb, emb
    ).reshape(B, 1)

# --- scband reference (transcript-rebuilt; emitter-appended) ---
"""Pipeline reference for scband-reviewer-18700287607422 (READ-ONLY COPY).

The authoritative reference and input builder live on the scoring server;
editing this copy changes nothing except your own understanding.
"""

import jax, jax.numpy as jnp
import numpy as np

VOCAB = 100000
DIM = 128
B = 4096
L = 50

def setup_inputs(seed: int = 0) -> dict:
    key = jax.random.key(seed)
    k1, k2, k3, k4 = jax.random.split(key, 4)
    x = jax.random.randint(k1, (B, L), 0, VOCAB, dtype=jnp.int64 if jax.config.jax_enable_x64 else jnp.int32)
    emb = jax.random.normal(k2, (VOCAB, DIM), dtype=jnp.float32) * 0.02
    # nn.Linear(dim, 1): weight [1, dim], bias [1]
    W = jax.random.normal(k3, (1, DIM), dtype=jnp.float32) * (1.0 / np.sqrt(DIM))
    b = jax.random.normal(k4, (1,), dtype=jnp.float32) * 0.01
    return {"x": x, "emb": emb, "W": W, "b": b}

def reference(x, emb, W, b):
    # embed = self.emdding(x)  -> gather rows
    e = jnp.take(emb, x, axis=0)            # [B, L, DIM]
    # mean = torch.mean(embed, axis=1)
    m = jnp.mean(e, axis=1)                  # [B, DIM]
    # sigs = self.sig(mean)
    s = jax.nn.sigmoid(m)
    # lin = self.lin(sigs)
    lin = s @ W.T + b                        # [B, 1]
    # sig = self.sig(lin)
    return jax.nn.sigmoid(lin)

if __name__ == "__main__":
    import jax
    _d = setup_inputs()
    print(jax.jit(kernel)(*tuple(_d.values())))

</pallas_src>

<mosaic_0001>
#map = affine_map<(d0, d1) -> (0, 0)>
#map1 = affine_map<(d0, d1) -> (0)>
module attributes {stable_mosaic.version = 14 : i64} {
  func.func @_fused(%arg0: i32, %arg1: i32, %arg2: memref<32x6400xi32, #tpu.memory_space<hbm>>, %arg3: memref<144xf32, #tpu.memory_space<hbm>>, %arg4: memref<100000x128xf32, #tpu.memory_space<hbm>>, %arg5: memref<4096xf32, #tpu.memory_space<hbm>>, %arg6: memref<6400xi32, #tpu.memory_space<vmem>>, %arg7: memref<200x128xf32, #tpu.memory_space<vmem>>, %arg8: memref<200x128xf32, #tpu.memory_space<vmem>>, %arg9: memref<200x128xf32, #tpu.memory_space<vmem>>, %arg10: memref<200x128xf32, #tpu.memory_space<vmem>>, %arg11: memref<144xf32, #tpu.memory_space<vmem>>, %arg12: memref<128xf32, #tpu.memory_space<vmem>>, %arg13: memref<!tpu.dma_semaphore, #tpu.memory_space<semaphore_mem>>, %arg14: memref<!tpu.dma_semaphore, #tpu.memory_space<semaphore_mem>>, %arg15: memref<!tpu.dma_semaphore, #tpu.memory_space<semaphore_mem>>, %arg16: memref<!tpu.dma_semaphore, #tpu.memory_space<semaphore_mem>>) attributes {dimension_semantics = [#tpu.dimension_semantics<core_parallel>, #tpu.dimension_semantics<subcore_parallel>], iteration_bounds = array<i64: 2, 16>, scalar_prefetch = 0 : i64, scratch_operands = 11 : i64, tpu.core_type = #tpu.core_type<sc_vector_subcore>, window_params = [{transform_indices = #map}, {transform_indices = #map1}, {transform_indices = #map}, {transform_indices = #map1}]} {
    %mul3A = arith.constant 2 : i32
    %mul3A_0 = arith.muli %arg1, %mul3A : i32
    %add3A = arith.addi %mul3A_0, %arg0 : i32
    "tpu.region"() ({
      %run_scoped3A = tpu.sem_alloc : memref<!tpu.dma_semaphore, #tpu.memory_space<semaphore_mem>>
      %dma_start3A_197 = arith.constant 0 : i32
      %dma_start3A_198 = tpu.memref_slice %arg2[%add3A, %dma_start3A_197] : memref<32x6400xi32, #tpu.memory_space<hbm>> -> memref<1x6400xi32, #tpu.memory_space<hbm>>
      %dma_start3A_199 = tpu.memref_squeeze %dma_start3A_198 : memref<1x6400xi32, #tpu.memory_space<hbm>> -> memref<6400xi32, #tpu.memory_space<hbm>>
      %dma_start3A_200 = arith.constant 0 : i32
      %dma_start3A_201 = tpu.memref_slice %arg2[%add3A, %dma_start3A_200] : memref<32x6400xi32, #tpu.memory_space<hbm>> -> memref<1x6400xi32, #tpu.memory_space<hbm>>
      %dma_start3A_202 = tpu.memref_squeeze %dma_start3A_201 : memref<1x6400xi32, #tpu.memory_space<hbm>> -> memref<6400xi32, #tpu.memory_space<hbm>>
      tpu.enqueue_dma source(%dma_start3A_202 : memref<6400xi32, #tpu.memory_space<hbm>>) target(%arg6 : memref<6400xi32, #tpu.memory_space<vmem>>) target_semaphore(%run_scoped3A : memref<!tpu.dma_semaphore, #tpu.memory_space<semaphore_mem>>)
      %dma_wait3A = arith.constant 0 : i32
      %dma_wait3A_203 = tpu.memref_slice %arg2[%add3A, %dma_wait3A] : memref<32x6400xi32, #tpu.memory_space<hbm>> -> memref<1x6400xi32, #tpu.memory_space<hbm>>
      %dma_wait3A_204 = tpu.memref_squeeze %dma_wait3A_203 : memref<1x6400xi32, #tpu.memory_space<hbm>> -> memref<6400xi32, #tpu.memory_space<hbm>>
      %dma_wait3A_205 = arith.constant 0 : i32
      %dma_wait3A_206 = tpu.memref_slice %arg2[%add3A, %dma_wait3A_205] : memref<32x6400xi32, #tpu.memory_space<hbm>> -> memref<1x6400xi32, #tpu.memory_space<hbm>>
      %dma_wait3A_207 = tpu.memref_squeeze %dma_wait3A_206 : memref<1x6400xi32, #tpu.memory_space<hbm>> -> memref<6400xi32, #tpu.memory_space<hbm>>
      tpu.wait_dma2 semaphore(%run_scoped3A : memref<!tpu.dma_semaphore, #tpu.memory_space<semaphore_mem>>) src(%dma_wait3A_207 : memref<6400xi32, #tpu.memory_space<hbm>>) dst(%arg6 : memref<6400xi32, #tpu.memory_space<vmem>>)
      tpu.yield
    }) : () -> ()
    "tpu.region"() ({
      %run_scoped3A = tpu.sem_alloc : memref<!tpu.dma_semaphore, #tpu.memory_space<semaphore_mem>>
      tpu.enqueue_dma source(%arg3 : memref<144xf32, #tpu.memory_space<hbm>>) target(%arg11 : memref<144xf32, #tpu.memory_space<vmem>>) target_semaphore(%run_scoped3A : memref<!tpu.dma_semaphore, #tpu.memory_space<semaphore_mem>>)
      tpu.wait_dma2 semaphore(%run_scoped3A : memref<!tpu.dma_semaphore, #tpu.memory_space<semaphore_mem>>) src(%arg3 : memref<144xf32, #tpu.memory_space<hbm>>) dst(%arg11 : memref<144xf32, #tpu.memory_space<vmem>>)
      tpu.yield
    }) : () -> ()
    %broadcast_in_dim3A = arith.constant 0.000000e+00 : f32
    %broadcast_in_dim3A_1 = vector.broadcast %broadcast_in_dim3A : f32 to vector<16xf32>
    %swap3A = arith.constant 0 : index
    %swap3A_2 = tpu.vector_load %arg12[%swap3A] {strides = array<i32>} : memref<128xf32, #tpu.memory_space<vmem>>, vector<16xf32>,
    %swap3A_3 = vector.shape_cast %swap3A_2 : vector<16xf32> to vector<16xf32>
    %swap3A_4 = vector.shape_cast %broadcast_in_dim3A_1 : vector<16xf32> to vector<16xf32>
    tpu.vector_store %arg12[%swap3A], %swap3A_4 {strides = array<i32>} : memref<128xf32, #tpu.memory_space<vmem>>, vector<16xf32>,
    %swap3A_5 = arith.constant 16 : index
    %swap3A_6 = tpu.vector_load %arg12[%swap3A_5] {strides = array<i32>} : memref<128xf32, #tpu.memory_space<vmem>>, vector<16xf32>,
    %swap3A_7 = vector.shape_cast %swap3A_6 : vector<16xf32> to vector<16xf32>
    %swap3A_8 = vector.shape_cast %broadcast_in_dim3A_1 : vector<16xf32> to vector<16xf32>
    tpu.vector_store %arg12[%swap3A_5], %swap3A_8 {strides = array<i32>} : memref<128xf32, #tpu.memory_space<vmem>>, vector<16xf32>,
    %swap3A_9 = arith.constant 32 : index
    %swap3A_10 = tpu.vector_load %arg12[%swap3A_9] {strides = array<i32>} : memref<128xf32, #tpu.memory_space<vmem>>, vector<16xf32>,
    %swap3A_11 = vector.shape_cast %swap3A_10 : vector<16xf32> to vector<16xf32>
    %swap3A_12 = vector.shape_cast %broadcast_in_dim3A_1 : vector<16xf32> to vector<16xf32>
    tpu.vector_store %arg12[%swap3A_9], %swap3A_12 {strides = array<i32>} : memref<128xf32, #tpu.memory_space<vmem>>, vector<16xf32>,
    %swap3A_13 = arith.constant 48 : index
    %swap3A_14 = tpu.vector_load %arg12[%swap3A_13] {strides = array<i32>} : memref<128xf32, #tpu.memory_space<vmem>>, vector<16xf32>,
    %swap3A_15 = vector.shape_cast %swap3A_14 : vector<16xf32> to vector<16xf32>
    %swap3A_16 = vector.shape_cast %broadcast_in_dim3A_1 : vector<16xf32> to vector<16xf32>
    tpu.vector_store %arg12[%swap3A_13], %swap3A_16 {strides = array<i32>} : memref<128xf32, #tpu.memory_space<vmem>>, vector<16xf32>,
    %swap3A_17 = arith.constant 64 : index
    %swap3A_18 = tpu.vector_load %arg12[%swap3A_17] {strides = array<i32>} : memref<128xf32, #tpu.memory_space<vmem>>, vector<16xf32>,
    %swap3A_19 = vector.shape_cast %swap3A_18 : vector<16xf32> to vector<16xf32>
    %swap3A_20 = vector.shape_cast %broadcast_in_dim3A_1 : vector<16xf32> to vector<16xf32>
    tpu.vector_store %arg12[%swap3A_17], %swap3A_20 {strides = array<i32>} : memref<128xf32, #tpu.memory_space<vmem>>, vector<16xf32>,
    %swap3A_21 = arith.constant 80 : index
    %swap3A_22 = tpu.vector_load %arg12[%swap3A_21] {strides = array<i32>} : memref<128xf32, #tpu.memory_space<vmem>>, vector<16xf32>,
    %swap3A_23 = vector.shape_cast %swap3A_22 : vector<16xf32> to vector<16xf32>
    %swap3A_24 = vector.shape_cast %broadcast_in_dim3A_1 : vector<16xf32> to vector<16xf32>
    tpu.vector_store %arg12[%swap3A_21], %swap3A_24 {strides = array<i32>} : memref<128xf32, #tpu.memory_space<vmem>>, vector<16xf32>,
    %swap3A_25 = arith.constant 96 : index
    %swap3A_26 = tpu.vector_load %arg12[%swap3A_25] {strides = array<i32>} : memref<128xf32, #tpu.memory_space<vmem>>, vector<16xf32>,
    %swap3A_27 = vector.shape_cast %swap3A_26 : vector<16xf32> to vector<16xf32>
    %swap3A_28 = vector.shape_cast %broadcast_in_dim3A_1 : vector<16xf32> to vector<16xf32>
    tpu.vector_store %arg12[%swap3A_25], %swap3A_28 {strides = array<i32>} : memref<128xf32, #tpu.memory_space<vmem>>, vector<16xf32>,
    %swap3A_29 = arith.constant 112 : index
    %swap3A_30 = tpu.vector_load %arg12[%swap3A_29] {strides = array<i32>} : memref<128xf32, #tpu.memory_space<vmem>>, vector<16xf32>,
    %swap3A_31 = vector.shape_cast %swap3A_30 : vector<16xf32> to vector<16xf32>
    %swap3A_32 = vector.shape_cast %broadcast_in_dim3A_1 : vector<16xf32> to vector<16xf32>
    tpu.vector_store %arg12[%swap3A_29], %swap3A_32 {strides = array<i32>} : memref<128xf32, #tpu.memory_space<vmem>>, vector<16xf32>,
    %iota3A = tpu.iota {dimensions = array<i32: 0>} : vector<16xi32>
    %dma_start3A = arith.constant 0 : i32
    %dma_start3A_33 = tpu.memref_slice %arg6[%dma_start3A] : memref<6400xi32, #tpu.memory_space<vmem>> -> memref<200xi32, #tpu.memory_space<vmem>>
    %dma_start3A_34 = arith.constant 0 : i32
    %dma_start3A_35 = arith.constant 0 : i32
    %dma_start3A_36 = tpu.memref_slice %arg4[%dma_start3A_34, %dma_start3A_35] : memref<100000x128xf32, #tpu.memory_space<hbm>> -> memref<100000x128xf32, #tpu.memory_space<hbm>>
    tpu.enqueue_indirect_dma source(%dma_start3A_36 : memref<100000x128xf32, #tpu.memory_space<hbm>>) target(%arg7 : memref<200x128xf32, #tpu.memory_space<vmem>>) offsets(%dma_start3A_33 : memref<200xi32, #tpu.memory_space<vmem>>) semaphore(%arg13 : memref<!tpu.dma_semaphore, #tpu.memory_space<semaphore_mem>>)
    %dma_start3A_37 = arith.constant 200 : i32
    %dma_start3A_38 = tpu.memref_slice %arg6[%dma_start3A_37] : memref<6400xi32, #tpu.memory_space<vmem>> -> memref<200xi32, #tpu.memory_space<vmem>>
    %dma_start3A_39 = arith.constant 0 : i32
    %dma_start3A_40 = arith.constant 0 : i32
    %dma_start3A_41 = tpu.memref_slice %arg4[%dma_start3A_39, %dma_start3A_40] : memref<100000x128xf32, #tpu.memory_space<hbm>> -> memref<100000x128xf32, #tpu.memory_space<hbm>>
    tpu.enqueue_indirect_dma source(%dma_start3A_41 : memref<100000x128xf32, #tpu.memory_space<hbm>>) target(%arg8 : memref<200x128xf32, #tpu.memory_space<vmem>>) offsets(%dma_start3A_38 : memref<200xi32, #tpu.memory_space<vmem>>) semaphore(%arg14 : memref<!tpu.dma_semaphore, #tpu.memory_space<semaphore_mem>>)
    %dma_start3A_42 = arith.constant 400 : i32
    %dma_start3A_43 = tpu.memref_slice %arg6[%dma_start3A_42] : memref<6400xi32, #tpu.memory_space<vmem>> -> memref<200xi32, #tpu.memory_space<vmem>>
    %dma_start3A_44 = arith.constant 0 : i32
    %dma_start3A_45 = arith.constant 0 : i32
    %dma_start3A_46 = tpu.memref_slice %arg4[%dma_start3A_44, %dma_start3A_45] : memref<100000x128xf32, #tpu.memory_space<hbm>> -> memref<100000x128xf32, #tpu.memory_space<hbm>>
    tpu.enqueue_indirect_dma source(%dma_start3A_46 : memref<100000x128xf32, #tpu.memory_space<hbm>>) target(%arg9 : memref<200x128xf32, #tpu.memory_space<vmem>>) offsets(%dma_start3A_43 : memref<200xi32, #tpu.memory_space<vmem>>) semaphore(%arg15 : memref<!tpu.dma_semaphore, #tpu.memory_space<semaphore_mem>>)
    %scan3A = arith.constant 0 : i32
    %scan3A_47 = arith.constant 0 : i32
    %scan3A_48 = arith.constant 8 : i32
    %scan3A_49 = arith.addi %scan3A_47, %scan3A_48 : i32
    %scan3A_50 = arith.constant 1 : i32
    scf.for %scan3A_197 = %scan3A_47 to %scan3A_49 step %scan3A_50  : i32 {
      %mul3A_198 = arith.constant 4 : i32
      %mul3A_199 = arith.muli %scan3A_197, %mul3A_198 : i32
      %add3A_200 = arith.constant 0 : i32
      %add3A_201 = arith.addi %mul3A_199, %add3A_200 : i32
      %add3A_202 = arith.constant 4 : i32
      %add3A_203 = arith.addi %add3A_201, %add3A_202 : i32
      %sub3A = arith.constant 1 : i32
      %sub3A_204 = arith.subi %add3A_203, %sub3A : i32
      %lt3A = arith.constant 32 : i32
      %lt3A_205 = arith.cmpi slt, %sub3A_204, %lt3A : i32
      %convert_element_type3A = arith.extui %lt3A_205 : i1 to i32
      %cond3A = arith.constant 0 : i32
      %cond3A_206 = arith.cmpi ne, %convert_element_type3A, %cond3A : i32
      scf.if %cond3A_206 {
        %add3A_417 = arith.constant 4 : i32
        %add3A_418 = arith.addi %add3A_201, %add3A_417 : i32
        %sub3A_419 = arith.constant 1 : i32
        %sub3A_420 = arith.subi %add3A_418, %sub3A_419 : i32
        %mul3A_421 = arith.constant 200 : i32
        %mul3A_422 = arith.muli %sub3A_420, %mul3A_421 : i32
        %dma_start3A_423 = tpu.memref_slice %arg6[%mul3A_422] : memref<6400xi32, #tpu.memory_space<vmem>> -> memref<200xi32, #tpu.memory_space<vmem>>
        %dma_start3A_424 = arith.constant 0 : i32
        %dma_start3A_425 = arith.constant 0 : i32
        %dma_start3A_426 = tpu.memref_slice %arg4[%dma_start3A_424, %dma_start3A_425] : memref<100000x128xf32, #tpu.memory_space<hbm>> -> memref<100000x128xf32, #tpu.memory_space<hbm>>
        tpu.enqueue_indirect_dma source(%dma_start3A_426 : memref<100000x128xf32, #tpu.memory_space<hbm>>) target(%arg10 : memref<200x128xf32, #tpu.memory_space<vmem>>) offsets(%dma_start3A_423 : memref<200xi32, #tpu.memory_space<vmem>>) semaphore(%arg16 : memref<!tpu.dma_semaphore, #tpu.memory_space<semaphore_mem>>)
      } else {
      }
      %dma_wait3A = arith.constant 0 : i32
      %dma_wait3A_207 = arith.constant 0 : i32
      %dma_wait3A_208 = tpu.memref_slice %arg4[%dma_wait3A, %dma_wait3A_207] : memref<100000x128xf32, #tpu.memory_space<hbm>> -> memref<200x128xf32, #tpu.memory_space<hbm>>
      %dma_wait3A_209 = arith.constant 0 : i32
      %dma_wait3A_210 = arith.constant 0 : i32
      %dma_wait3A_211 = tpu.memref_slice %arg4[%dma_wait3A_209, %dma_wait3A_210] : memref<100000x128xf32, #tpu.memory_space<hbm>> -> memref<200x128xf32, #tpu.memory_space<hbm>>
      tpu.wait_dma2 semaphore(%arg13 : memref<!tpu.dma_semaphore, #tpu.memory_space<semaphore_mem>>) src(%dma_wait3A_211 : memref<200x128xf32, #tpu.memory_space<hbm>>) dst(%arg7 : memref<200x128xf32, #tpu.memory_space<vmem>>)
      %scan3A_212 = arith.constant 0 : i32
      %scan3A_213 = arith.constant 4 : i32
      %scan3A_214 = arith.addi %scan3A_212, %scan3A_213 : i32
      %scan3A_215 = arith.constant 1 : i32
      %scan3A_216 = scf.for %scan3A_417 = %scan3A_212 to %scan3A_214 step %scan3A_215 iter_args(%scan3A_418 = %broadcast_in_dim3A_1) -> (vector<16xf32>)  : i32 {
        %broadcast_in_dim3A_419 = arith.constant 0.000000e+00 : f32
        %broadcast_in_dim3A_420 = vector.broadcast %broadcast_in_dim3A_419 : f32 to vector<16xf32>
        %broadcast_in_dim3A_421 = arith.constant 0.000000e+00 : f32
        %broadcast_in_dim3A_422 = vector.broadcast %broadcast_in_dim3A_421 : f32 to vector<16xf32>
        %broadcast_in_dim3A_423 = arith.constant 0.000000e+00 : f32
        %broadcast_in_dim3A_424 = vector.broadcast %broadcast_in_dim3A_423 : f32 to vector<16xf32>
        %broadcast_in_dim3A_425 = arith.constant 0.000000e+00 : f32
        %broadcast_in_dim3A_426 = vector.broadcast %broadcast_in_dim3A_425 : f32 to vector<16xf32>
        %broadcast_in_dim3A_427 = arith.constant 0.000000e+00 : f32
        %broadcast_in_dim3A_428 = vector.broadcast %broadcast_in_dim3A_427 : f32 to vector<16xf32>
        %broadcast_in_dim3A_429 = arith.constant 0.000000e+00 : f32
        %broadcast_in_dim3A_430 = vector.broadcast %broadcast_in_dim3A_429 : f32 to vector<16xf32>
        %broadcast_in_dim3A_431 = arith.constant 0.000000e+00 : f32
        %broadcast_in_dim3A_432 = vector.broadcast %broadcast_in_dim3A_431 : f32 to vector<16xf32>
        %broadcast_in_dim3A_433 = arith.constant 0.000000e+00 : f32
        %broadcast_in_dim3A_434 = vector.broadcast %broadcast_in_dim3A_433 : f32 to vector<16xf32>
        %scan3A_435 = arith.constant 0 : i32
        %scan3A_436 = arith.constant 50 : i32
        %scan3A_437 = arith.addi %scan3A_435, %scan3A_436 : i32
        %scan3A_438 = arith.constant 2 : i32
        %scan3A_439:8 = scf.for %scan3A_635 = %scan3A_435 to %scan3A_437 step %scan3A_438 iter_args(%scan3A_636 = %broadcast_in_dim3A_420, %scan3A_637 = %broadcast_in_dim3A_422, %scan3A_638 = %broadcast_in_dim3A_424, %scan3A_639 = %broadcast_in_dim3A_426, %scan3A_640 = %broadcast_in_dim3A_428, %scan3A_641 = %broadcast_in_dim3A_430, %scan3A_642 = %broadcast_in_dim3A_432, %scan3A_643 = %broadcast_in_dim3A_434) -> (vector<16xf32>, vector<16xf32>, vector<16xf32>, vector<16xf32>, vector<16xf32>, vector<16xf32>, vector<16xf32>, vector<16xf32>)  : i32 {
          %mul3A_644 = arith.constant 50 : i32
          %mul3A_645 = arith.muli %scan3A_417, %mul3A_644 : i32
          %add3A_646 = arith.addi %mul3A_645, %scan3A_635 : i32
          %get3A_647 = arith.index_cast %add3A_646 : i32 to index
          %get3A_648 = arith.constant 0 : index
          %get3A_649 = tpu.vector_load %arg7[%get3A_647, %get3A_648] {strides = array<i32>} : memref<200x128xf32, #tpu.memory_space<vmem>>, vector<1x16xf32>,
          %get3A_650 = vector.shape_cast %get3A_649 : vector<1x16xf32> to vector<16xf32>
          %add3A_651 = arith.addf %scan3A_636, %get3A_650 : vector<16xf32>
          %get3A_652 = arith.index_cast %add3A_646 : i32 to index
          %get3A_653 = arith.constant 16 : index
          %get3A_654 = tpu.vector_load %arg7[%get3A_652, %get3A_653] {strides = array<i32>} : memref<200x128xf32, #tpu.memory_space<vmem>>, vector<1x16xf32>,
          %get3A_655 = vector.shape_cast %get3A_654 : vector<1x16xf32> to vector<16xf32>
          %add3A_656 = arith.addf %scan3A_637, %get3A_655 : vector<16xf32>
          %get3A_657 = arith.index_cast %add3A_646 : i32 to index
          %get3A_658 = arith.constant 32 : index
          %get3A_659 = tpu.vector_load %arg7[%get3A_657, %get3A_658] {strides = array<i32>} : memref<200x128xf32, #tpu.memory_space<vmem>>, vector<1x16xf32>,
          %get3A_660 = vector.shape_cast %get3A_659 : vector<1x16xf32> to vector<16xf32>
          %add3A_661 = arith.addf %scan3A_638, %get3A_660 : vector<16xf32>
          %get3A_662 = arith.index_cast %add3A_646 : i32 to index
          %get3A_663 = arith.constant 48 : index
          %get3A_664 = tpu.vector_load %arg7[%get3A_662, %get3A_663] {strides = array<i32>} : memref<200x128xf32, #tpu.memory_space<vmem>>, vector<1x16xf32>,
          %get3A_665 = vector.shape_cast %get3A_664 : vector<1x16xf32> to vector<16xf32>
          %add3A_666 = arith.addf %scan3A_639, %get3A_665 : vector<16xf32>
          %get3A_667 = arith.index_cast %add3A_646 : i32 to index
          %get3A_668 = arith.constant 64 : index
          %get3A_669 = tpu.vector_load %arg7[%get3A_667, %get3A_668] {strides = array<i32>} : memref<200x128xf32, #tpu.memory_space<vmem>>, vector<1x16xf32>,
          %get3A_670 = vector.shape_cast %get3A_669 : vector<1x16xf32> to vector<16xf32>
          %add3A_671 = arith.addf %scan3A_640, %get3A_670 : vector<16xf32>
          %get3A_672 = arith.index_cast %add3A_646 : i32 to index
          %get3A_673 = arith.constant 80 : index
          %get3A_674 = tpu.vector_load %arg7[%get3A_672, %get3A_673] {strides = array<i32>} : memref<200x128xf32, #tpu.memory_space<vmem>>, vector<1x16xf32>,
          %get3A_675 = vector.shape_cast %get3A_674 : vector<1x16xf32> to vector<16xf32>
          %add3A_676 = arith.addf %scan3A_641, %get3A_675 : vector<16xf32>
          %get3A_677 = arith.index_cast %add3A_646 : i32 to index
          %get3A_678 = arith.constant 96 : index
          %get3A_679 = tpu.vector_load %arg7[%get3A_677, %get3A_678] {strides = array<i32>} : memref<200x128xf32, #tpu.memory_space<vmem>>, vector<1x16xf32>,
          %get3A_680 = vector.shape_cast %get3A_679 : vector<1x16xf32> to vector<16xf32>
          %add3A_681 = arith.addf %scan3A_642, %get3A_680 : vector<16xf32>
          %get3A_682 = arith.index_cast %add3A_646 : i32 to index
          %get3A_683 = arith.constant 112 : index
          %get3A_684 = tpu.vector_load %arg7[%get3A_682, %get3A_683] {strides = array<i32>} : memref<200x128xf32, #tpu.memory_space<vmem>>, vector<1x16xf32>,
          %get3A_685 = vector.shape_cast %get3A_684 : vector<1x16xf32> to vector<16xf32>
          %add3A_686 = arith.addf %scan3A_643, %get3A_685 : vector<16xf32>
          %scan3A_687 = arith.constant 1 : i32
          %scan3A_688 = arith.addi %scan3A_635, %scan3A_687 : i32
          %mul3A_689 = arith.constant 50 : i32
          %mul3A_690 = arith.muli %scan3A_417, %mul3A_689 : i32
          %add3A_691 = arith.addi %mul3A_690, %scan3A_688 : i32
          %get3A_692 = arith.index_cast %add3A_691 : i32 to index
          %get3A_693 = arith.constant 0 : index
          %get3A_694 = tpu.vector_load %arg7[%get3A_692, %get3A_693] {strides = array<i32>} : memref<200x128xf32, #tpu.memory_space<vmem>>, vector<1x16xf32>,
          %get3A_695 = vector.shape_cast %get3A_694 : vector<1x16xf32> to vector<16xf32>
          %add3A_696 = arith.addf %add3A_651, %get3A_695 : vector<16xf32>
          %get3A_697 = arith.index_cast %add3A_691 : i32 to index
          %get3A_698 = arith.constant 16 : index
          %get3A_699 = tpu.vector_load %arg7[%get3A_697, %get3A_698] {strides = array<i32>} : memref<200x128xf32, #tpu.memory_space<vmem>>, vector<1x16xf32>,
          %get3A_700 = vector.shape_cast %get3A_699 : vector<1x16xf32> to vector<16xf32>
          %add3A_701 = arith.addf %add3A_656, %get3A_700 : vector<16xf32>
          %get3A_702 = arith.index_cast %add3A_691 : i32 to index
          %get3A_703 = arith.constant 32 : index
          %get3A_704 = tpu.vector_load %arg7[%get3A_702, %get3A_703] {strides = array<i32>} : memref<200x128xf32, #tpu.memory_space<vmem>>, vector<1x16xf32>,
          %get3A_705 = vector.shape_cast %get3A_704 : vector<1x16xf32> to vector<16xf32>
          %add3A_706 = arith.addf %add3A_661, %get3A_705 : vector<16xf32>
          %get3A_707 = arith.index_cast %add3A_691 : i32 to index
          %get3A_708 = arith.constant 48 : index
          %get3A_709 = tpu.vector_load %arg7[%get3A_707, %get3A_708] {strides = array<i32>} : memref<200x128xf32, #tpu.memory_space<vmem>>, vector<1x16xf32>,
          %get3A_710 = vector.shape_cast %get3A_709 : vector<1x16xf32> to vector<16xf32>
          %add3A_711 = arith.addf %add3A_666, %get3A_710 : vector<16xf32>
          %get3A_712 = arith.index_cast %add3A_691 : i32 to index
          %get3A_713 = arith.constant 64 : index
          %get3A_714 = tpu.vector_load %arg7[%get3A_712, %get3A_713] {strides = array<i32>} : memref<200x128xf32, #tpu.memory_space<vmem>>, vector<1x16xf32>,
          %get3A_715 = vector.shape_cast %get3A_714 : vector<1x16xf32> to vector<16xf32>
          %add3A_716 = arith.addf %add3A_671, %get3A_715 : vector<16xf32>
          %get3A_717 = arith.index_cast %add3A_691 : i32 to index
          %get3A_718 = arith.constant 80 : index
          %get3A_719 = tpu.vector_load %arg7[%get3A_717, %get3A_718] {strides = array<i32>} : memref<200x128xf32, #tpu.memory_space<vmem>>, vector<1x16xf32>,
          %get3A_720 = vector.shape_cast %get3A_719 : vector<1x16xf32> to vector<16xf32>
          %add3A_721 = arith.addf %add3A_676, %get3A_720 : vector<16xf32>
          %get3A_722 = arith.index_cast %add3A_691 : i32 to index
          %get3A_723 = arith.constant 96 : index
          %get3A_724 = tpu.vector_load %arg7[%get3A_722, %get3A_723] {strides = array<i32>} : memref<200x128xf32, #tpu.memory_space<vmem>>, vector<1x16xf32>,
          %get3A_725 = vector.shape_cast %get3A_724 : vector<1x16xf32> to vector<16xf32>
          %add3A_726 = arith.addf %add3A_681, %get3A_725 : vector<16xf32>
          %get3A_727 = arith.index_cast %add3A_691 : i32 to index
          %get3A_728 = arith.constant 112 : index
          %get3A_729 = tpu.vector_load %arg7[%get3A_727, %get3A_728] {strides = array<i32>} : memref<200x128xf32, #tpu.memory_space<vmem>>, vector<1x16xf32>,
          %get3A_730 = vector.shape_cast %get3A_729 : vector<1x16xf32> to vector<16xf32>
          %add3A_731 = arith.addf %add3A_686, %get3A_730 : vector<16xf32>
          scf.yield %add3A_696, %add3A_701, %add3A_706, %add3A_711, %add3A_716, %add3A_721, %add3A_726, %add3A_731 : vector<16xf32>, vector<16xf32>, vector<16xf32>, vector<16xf32>, vector<16xf32>, vector<16xf32>, vector<16xf32>, vector<16xf32>
        }
        %scan3A_440 = arith.constant 50 : i32
        %mul3A_441 = arith.constant 2.000000e-02 : f32
        %mul3A_442 = vector.broadcast %mul3A_441 : f32 to vector<16xf32>
        %mul3A_443 = arith.mulf %scan3A_439#0, %mul3A_442 : vector<16xf32>
        %neg3A_444 = arith.constant 0.000000e+00 : f32
        %neg3A_445 = vector.broadcast %neg3A_444 : f32 to vector<16xf32>
        %neg3A_446 = arith.subf %neg3A_445, %mul3A_443 : vector<16xf32>
        %exp3A_447 = math.exp %neg3A_446 : vector<16xf32>
        %add3A_448 = arith.constant 1.000000e+00 : f32
        %add3A_449 = vector.broadcast %add3A_448 : f32 to vector<16xf32>
        %add3A_450 = arith.addf %add3A_449, %exp3A_447 : vector<16xf32>
        %div3A_451 = arith.constant 1.000000e+00 : f32
        %div3A_452 = vector.broadcast %div3A_451 : f32 to vector<16xf32>
        %div3A_453 = arith.divf %div3A_452, %add3A_450 : vector<16xf32>
        %get3A_454 = arith.constant 0 : index
        %get3A_455 = tpu.vector_load %arg11[%get3A_454] {strides = array<i32>} : memref<144xf32, #tpu.memory_space<vmem>>, vector<16xf32>,
        %get3A_456 = vector.shape_cast %get3A_455 : vector<16xf32> to vector<16xf32>
        %mul3A_457 = arith.mulf %div3A_453, %get3A_456 : vector<16xf32>
        %add3A_458 = arith.addf %broadcast_in_dim3A_1, %mul3A_457 : vector<16xf32>
        %mul3A_459 = arith.constant 2.000000e-02 : f32
        %mul3A_460 = vector.broadcast %mul3A_459 : f32 to vector<16xf32>
        %mul3A_461 = arith.mulf %scan3A_439#1, %mul3A_460 : vector<16xf32>
        %neg3A_462 = arith.constant 0.000000e+00 : f32
        %neg3A_463 = vector.broadcast %neg3A_462 : f32 to vector<16xf32>
        %neg3A_464 = arith.subf %neg3A_463, %mul3A_461 : vector<16xf32>
        %exp3A_465 = math.exp %neg3A_464 : vector<16xf32>
        %add3A_466 = arith.constant 1.000000e+00 : f32
        %add3A_467 = vector.broadcast %add3A_466 : f32 to vector<16xf32>
        %add3A_468 = arith.addf %add3A_467, %exp3A_465 : vector<16xf32>
        %div3A_469 = arith.constant 1.000000e+00 : f32
        %div3A_470 = vector.broadcast %div3A_469 : f32 to vector<16xf32>
        %div3A_471 = arith.divf %div3A_470, %add3A_468 : vector<16xf32>
        %get3A_472 = arith.constant 16 : index
        %get3A_473 = tpu.vector_load %arg11[%get3A_472] {strides = array<i32>} : memref<144xf32, #tpu.memory_space<vmem>>, vector<16xf32>,
        %get3A_474 = vector.shape_cast %get3A_473 : vector<16xf32> to vector<16xf32>
        %mul3A_475 = arith.mulf %div3A_471, %get3A_474 : vector<16xf32>
        %add3A_476 = arith.addf %add3A_458, %mul3A_475 : vector<16xf32>
        %mul3A_477 = arith.constant 2.000000e-02 : f32
        %mul3A_478 = vector.broadcast %mul3A_477 : f32 to vector<16xf32>
        %mul3A_479 = arith.mulf %scan3A_439#2, %mul3A_478 : vector<16xf32>
        %neg3A_480 = arith.constant 0.000000e+00 : f32
        %neg3A_481 = vector.broadcast %neg3A_480 : f32 to vector<16xf32>
        %neg3A_482 = arith.subf %neg3A_481, %mul3A_479 : vector<16xf32>
        %exp3A_483 = math.exp %neg3A_482 : vector<16xf32>
        %add3A_484 = arith.constant 1.000000e+00 : f32
        %add3A_485 = vector.broadcast %add3A_484 : f32 to vector<16xf32>
        %add3A_486 = arith.addf %add3A_485, %exp3A_483 : vector<16xf32>
        %div3A_487 = arith.constant 1.000000e+00 : f32
        %div3A_488 = vector.broadcast %div3A_487 : f32 to vector<16xf32>
        %div3A_489 = arith.divf %div3A_488, %add3A_486 : vector<16xf32>
        %get3A_490 = arith.constant 32 : index
        %get3A_491 = tpu.vector_load %arg11[%get3A_490] {strides = array<i32>} : memref<144xf32, #tpu.memory_space<vmem>>, vector<16xf32>,
        %get3A_492 = vector.shape_cast %get3A_491 : vector<16xf32> to vector<16xf32>
        %mul3A_493 = arith.mulf %div3A_489, %get3A_492 : vector<16xf32>
        %add3A_494 = arith.addf %add3A_476, %mul3A_493 : vector<16xf32>
        %mul3A_495 = arith.constant 2.000000e-02 : f32
        %mul3A_496 = vector.broadcast %mul3A_495 : f32 to vector<16xf32>
        %mul3A_497 = arith.mulf %scan3A_439#3, %mul3A_496 : vector<16xf32>
        %neg3A_498 = arith.constant 0.000000e+00 : f32
        %neg3A_499 = vector.broadcast %neg3A_498 : f32 to vector<16xf32>
        %neg3A_500 = arith.subf %neg3A_499, %mul3A_497 : vector<16xf32>
        %exp3A_501 = math.exp %neg3A_500 : vector<16xf32>
        %add3A_502 = arith.constant 1.000000e+00 : f32
        %add3A_503 = vector.broadcast %add3A_502 : f32 to vector<16xf32>
        %add3A_504 = arith.addf %add3A_503, %exp3A_501 : vector<16xf32>
        %div3A_505 = arith.constant 1.000000e+00 : f32
        %div3A_506 = vector.broadcast %div3A_505 : f32 to vector<16xf32>
        %div3A_507 = arith.divf %div3A_506, %add3A_504 : vector<16xf32>
        %get3A_508 = arith.constant 48 : index
        %get3A_509 = tpu.vector_load %arg11[%get3A_508] {strides = array<i32>} : memref<144xf32, #tpu.memory_space<vmem>>, vector<16xf32>,
        %get3A_510 = vector.shape_cast %get3A_509 : vector<16xf32> to vector<16xf32>
        %mul3A_511 = arith.mulf %div3A_507, %get3A_510 : vector<16xf32>
        %add3A_512 = arith.addf %add3A_494, %mul3A_511 : vector<16xf32>
        %mul3A_513 = arith.constant 2.000000e-02 : f32
        %mul3A_514 = vector.broadcast %mul3A_513 : f32 to vector<16xf32>
        %mul3A_515 = arith.mulf %scan3A_439#4, %mul3A_514 : vector<16xf32>
        %neg3A_516 = arith.constant 0.000000e+00 : f32
        %neg3A_517 = vector.broadcast %neg3A_516 : f32 to vector<16xf32>
        %neg3A_518 = arith.subf %neg3A_517, %mul3A_515 : vector<16xf32>
        %exp3A_519 = math.exp %neg3A_518 : vector<16xf32>
        %add3A_520 = arith.constant 1.000000e+00 : f32
        %add3A_521 = vector.broadcast %add3A_520 : f32 to vector<16xf32>
        %add3A_522 = arith.addf %add3A_521, %exp3A_519 : vector<16xf32>
        %div3A_523 = arith.constant 1.000000e+00 : f32
        %div3A_524 = vector.broadcast %div3A_523 : f32 to vector<16xf32>
        %div3A_525 = arith.divf %div3A_524, %add3A_522 : vector<16xf32>
        %get3A_526 = arith.constant 64 : index
        %get3A_527 = tpu.vector_load %arg11[%get3A_526] {strides = array<i32>} : memref<144xf32, #tpu.memory_space<vmem>>, vector<16xf32>,
        %get3A_528 = vector.shape_cast %get3A_527 : vector<16xf32> to vector<16xf32>
        %mul3A_529 = arith.mulf %div3A_525, %get3A_528 : vector<16xf32>
        %add3A_530 = arith.addf %add3A_512, %mul3A_529 : vector<16xf32>
        %mul3A_531 = arith.constant 2.000000e-02 : f32
        %mul3A_532 = vector.broadcast %mul3A_531 : f32 to vector<16xf32>
        %mul3A_533 = arith.mulf %scan3A_439#5, %mul3A_532 : vector<16xf32>
        %neg3A_534 = arith.constant 0.000000e+00 : f32
        %neg3A_535 = vector.broadcast %neg3A_534 : f32 to vector<16xf32>
        %neg3A_536 = arith.subf %neg3A_535, %mul3A_533 : vector<16xf32>
        %exp3A_537 = math.exp %neg3A_536 : vector<16xf32>
        %add3A_538 = arith.constant 1.000000e+00 : f32
        %add3A_539 = vector.broadcast %add3A_538 : f32 to vector<16xf32>
        %add3A_540 = arith.addf %add3A_539, %exp3A_537 : vector<16xf32>
        %div3A_541 = arith.constant 1.000000e+00 : f32
        %div3A_542 = vector.broadcast %div3A_541 : f32 to vector<16xf32>
        %div3A_543 = arith.divf %div3A_542, %add3A_540 : vector<16xf32>
        %get3A_544 = arith.constant 80 : index
        %get3A_545 = tpu.vector_load %arg11[%get3A_544] {strides = array<i32>} : memref<144xf32, #tpu.memory_space<vmem>>, vector<16xf32>,
        %get3A_546 = vector.shape_cast %get3A_545 : vector<16xf32> to vector<16xf32>
        %mul3A_547 = arith.mulf %div3A_543, %get3A_546 : vector<16xf32>
        %add3A_548 = arith.addf %add3A_530, %mul3A_547 : vector<16xf32>
        %mul3A_549 = arith.constant 2.000000e-02 : f32
        %mul3A_550 = vector.broadcast %mul3A_549 : f32 to vector<16xf32>
        %mul3A_551 = arith.mulf %scan3A_439#6, %mul3A_550 : vector<16xf32>
        %neg3A_552 = arith.constant 0.000000e+00 : f32
        %neg3A_553 = vector.broadcast %neg3A_552 : f32 to vector<16xf32>
        %neg3A_554 = arith.subf %neg3A_553, %mul3A_551 : vector<16xf32>
        %exp3A_555 = math.exp %neg3A_554 : vector<16xf32>
        %add3A_556 = arith.constant 1.000000e+00 : f32
        %add3A_557 = vector.broadcast %add3A_556 : f32 to vector<16xf32>
        %add3A_558 = arith.addf %add3A_557, %exp3A_555 : vector<16xf32>
        %div3A_559 = arith.constant 1.000000e+00 : f32
        %div3A_560 = vector.broadcast %div3A_559 : f32 to vector<16xf32>
        %div3A_561 = arith.divf %div3A_560, %add3A_558 : vector<16xf32>
        %get3A_562 = arith.constant 96 : index
        %get3A_563 = tpu.vector_load %arg11[%get3A_562] {strides = array<i32>} : memref<144xf32, #tpu.memory_space<vmem>>, vector<16xf32>,
        %get3A_564 = vector.shape_cast %get3A_563 : vector<16xf32> to vector<16xf32>
        %mul3A_565 = arith.mulf %div3A_561, %get3A_564 : vector<16xf32>
        %add3A_566 = arith.addf %add3A_548, %mul3A_565 : vector<16xf32>
        %mul3A_567 = arith.constant 2.000000e-02 : f32
        %mul3A_568 = vector.broadcast %mul3A_567 : f32 to vector<16xf32>
        %mul3A_569 = arith.mulf %scan3A_439#7, %mul3A_568 : vector<16xf32>
        %neg3A_570 = arith.constant 0.000000e+00 : f32
        %neg3A_571 = vector.broadcast %neg3A_570 : f32 to vector<16xf32>
        %neg3A_572 = arith.subf %neg3A_571, %mul3A_569 : vector<16xf32>
        %exp3A_573 = math.exp %neg3A_572 : vector<16xf32>
        %add3A_574 = arith.constant 1.000000e+00 : f32
        %add3A_575 = vector.broadcast %add3A_574 : f32 to vector<16xf32>
        %add3A_576 = arith.addf %add3A_575, %exp3A_573 : vector<16xf32>
        %div3A_577 = arith.constant 1.000000e+00 : f32
        %div3A_578 = vector.broadcast %div3A_577 : f32 to vector<16xf32>
        %div3A_579 = arith.divf %div3A_578, %add3A_576 : vector<16xf32>
        %get3A_580 = arith.constant 112 : index
        %get3A_581 = tpu.vector_load %arg11[%get3A_580] {strides = array<i32>} : memref<144xf32, #tpu.memory_space<vmem>>, vector<16xf32>,
        %get3A_582 = vector.shape_cast %get3A_581 : vector<16xf32> to vector<16xf32>
        %mul3A_583 = arith.mulf %div3A_579, %get3A_582 : vector<16xf32>
        %add3A_584 = arith.addf %add3A_566, %mul3A_583 : vector<16xf32>
        %iota3A_585 = tpu.iota {dimensions = array<i32: 0>} : vector<16xi32>
        %xor3A = arith.constant 1 : i32
        %xor3A_586 = vector.broadcast %xor3A : i32 to vector<16xi32>
        %xor3A_587 = arith.xori %iota3A_585, %xor3A_586 : vector<16xi32>
        %reshape3A = vector.shape_cast %xor3A_587 : vector<16xi32> to vector<16x1xi32>
        %gather3A = vector.shape_cast %reshape3A : vector<16x1xi32> to vector<16xi32>
        %gather3A_588 = tpu.dynamic_gather %add3A_584[%gather3A] in [0] : vector<16xf32>, vector<16xi32> -> vector<16xf32>
        %add3A_589 = arith.addf %add3A_584, %gather3A_588 : vector<16xf32>
        %iota3A_590 = tpu.iota {dimensions = array<i32: 0>} : vector<16xi32>
        %xor3A_591 = arith.constant 2 : i32
        %xor3A_592 = vector.broadcast %xor3A_591 : i32 to vector<16xi32>
        %xor3A_593 = arith.xori %iota3A_590, %xor3A_592 : vector<16xi32>
        %reshape3A_594 = vector.shape_cast %xor3A_593 : vector<16xi32> to vector<16x1xi32>
        %gather3A_595 = vector.shape_cast %reshape3A_594 : vector<16x1xi32> to vector<16xi32>
        %gather3A_596 = tpu.dynamic_gather %add3A_589[%gather3A_595] in [0] : vector<16xf32>, vector<16xi32> -> vector<16xf32>
        %add3A_597 = arith.addf %add3A_589, %gather3A_596 : vector<16xf32>
        %iota3A_598 = tpu.iota {dimensions = array<i32: 0>} : vector<16xi32>
        %xor3A_599 = arith.constant 4 : i32
        %xor3A_600 = vector.broadcast %xor3A_599 : i32 to vector<16xi32>
        %xor3A_601 = arith.xori %iota3A_598, %xor3A_600 : vector<16xi32>
        %reshape3A_602 = vector.shape_cast %xor3A_601 : vector<16xi32> to vector<16x1xi32>
        %gather3A_603 = vector.shape_cast %reshape3A_602 : vector<16x1xi32> to vector<16xi32>
        %gather3A_604 = tpu.dynamic_gather %add3A_597[%gather3A_603] in [0] : vector<16xf32>, vector<16xi32> -> vector<16xf32>
        %add3A_605 = arith.addf %add3A_597, %gather3A_604 : vector<16xf32>
        %iota3A_606 = tpu.iota {dimensions = array<i32: 0>} : vector<16xi32>
        %xor3A_607 = arith.constant 8 : i32
        %xor3A_608 = vector.broadcast %xor3A_607 : i32 to vector<16xi32>
        %xor3A_609 = arith.xori %iota3A_606, %xor3A_608 : vector<16xi32>
        %reshape3A_610 = vector.shape_cast %xor3A_609 : vector<16xi32> to vector<16x1xi32>
        %gather3A_611 = vector.shape_cast %reshape3A_610 : vector<16x1xi32> to vector<16xi32>
        %gather3A_612 = tpu.dynamic_gather %add3A_605[%gather3A_611] in [0] : vector<16xf32>, vector<16xi32> -> vector<16xf32>
        %add3A_613 = arith.addf %add3A_605, %gather3A_612 : vector<16xf32>
        %jit3A_614 = arith.constant 4 : i32
        %eq3A = arith.constant 0 : i32
        %eq3A_615 = arith.cmpi eq, %jit3A_614, %eq3A : i32
        %jit3A_616 = arith.constant 1 : i32
        %select_n3A_617 = arith.select %eq3A_615, %jit3A_616, %jit3A_614 : i32
        %rem3A_618 = arith.remsi %add3A_201, %select_n3A_617 : i32
        %ne3A_619 = arith.constant 0 : i32
        %ne3A_620 = arith.cmpi ne, %rem3A_618, %ne3A_619 : i32
        %lt3A_621 = arith.constant 0 : i32
        %lt3A_622 = arith.cmpi slt, %rem3A_618, %lt3A_621 : i32
        %lt3A_623 = arith.constant 0 : i32
        %lt3A_624 = arith.cmpi slt, %select_n3A_617, %lt3A_623 : i32
        %ne3A_625 = arith.xori %lt3A_622, %lt3A_624 : i1
        %and3A_626 = arith.andi %ne3A_625, %ne3A_620 : i1
        %add3A_627 = arith.addi %rem3A_618, %select_n3A_617 : i32
        %select_n3A_628 = arith.select %and3A_626, %add3A_627, %rem3A_618 : i32
        %mul3A_629 = arith.constant 4 : i32
        %mul3A_630 = arith.muli %select_n3A_628, %mul3A_629 : i32
        %add3A_631 = arith.addi %mul3A_630, %scan3A_417 : i32
        %eq3A_632 = vector.broadcast %add3A_631 : i32 to vector<16xi32>
        %eq3A_633 = arith.cmpi eq, %iota3A, %eq3A_632 : vector<16xi32>
        %select_n3A_634 = arith.select %eq3A_633, %add3A_613, %scan3A_418 : vector<16xi1>, vector<16xf32>
        scf.yield %select_n3A_634 : vector<16xf32>
      }
      %scan3A_217 = arith.constant 4 : i32
      %jit3A = arith.constant 4 : i32
      %div3A_218 = arith.divsi %add3A_201, %jit3A : i32
      %sign3A = arith.constant 0 : i32
      %sign3A_219 = arith.cmpi sgt, %add3A_201, %sign3A : i32
      %sign3A_220 = arith.extui %sign3A_219 : i1 to i32
      %sign3A_221 = arith.constant 0 : i32
      %sign3A_222 = arith.cmpi slt, %add3A_201, %sign3A_221 : i32
      %sign3A_223 = arith.extui %sign3A_222 : i1 to i32
      %sign3A_224 = arith.subi %sign3A_220, %sign3A_223 : i32
      %sign3A_225 = arith.constant 0 : i32
      %sign3A_226 = arith.cmpi sgt, %jit3A, %sign3A_225 : i32
      %sign3A_227 = arith.extui %sign3A_226 : i1 to i32
      %sign3A_228 = arith.constant 0 : i32
      %sign3A_229 = arith.cmpi slt, %jit3A, %sign3A_228 : i32
      %sign3A_230 = arith.extui %sign3A_229 : i1 to i32
      %sign3A_231 = arith.subi %sign3A_227, %sign3A_230 : i32
      %ne3A = arith.cmpi ne, %sign3A_224, %sign3A_231 : i32
      %rem3A = arith.remsi %add3A_201, %jit3A : i32
      %ne3A_232 = arith.constant 0 : i32
      %ne3A_233 = arith.cmpi ne, %rem3A, %ne3A_232 : i32
      %and3A = arith.andi %ne3A, %ne3A_233 : i1
      %sub3A_234 = arith.constant 1 : i32
      %sub3A_235 = arith.subi %div3A_218, %sub3A_234 : i32
      %select_n3A = arith.select %and3A, %sub3A_235, %div3A_218 : i32
      %mul3A_236 = arith.constant 16 : i32
      %mul3A_237 = arith.muli %select_n3A, %mul3A_236 : i32
      %get3A_238 = arith.index_cast %mul3A_237 : i32 to index
      %get3A_239 = tpu.vector_load %arg12[%get3A_238] {strides = array<i32>} : memref<128xf32, #tpu.memory_space<vmem>>, vector<16xf32>,
      %get3A_240 = vector.shape_cast %get3A_239 : vector<16xf32> to vector<16xf32>
      %add3A_241 = arith.addf %get3A_240, %scan3A_216 : vector<16xf32>
      %swap3A_242 = arith.index_cast %mul3A_237 : i32 to index
      %swap3A_243 = tpu.vector_load %arg12[%swap3A_242] {strides = array<i32>} : memref<128xf32, #tpu.memory_space<vmem>>, vector<16xf32>,
      %swap3A_244 = vector.shape_cast %swap3A_243 : vector<16xf32> to vector<16xf32>
      %swap3A_245 = vector.shape_cast %add3A_241 : vector<16xf32> to vector<16xf32>
      tpu.vector_store %arg12[%swap3A_242], %swap3A_245 {strides = array<i32>} : memref<128xf32, #tpu.memory_space<vmem>>, vector<16xf32>,
      %add3A_246 = arith.constant 1 : i32
      %add3A_247 = arith.addi %mul3A_199, %add3A_246 : i32
      %add3A_248 = arith.constant 4 : i32
      %add3A_249 = arith.addi %add3A_247, %add3A_248 : i32
      %sub3A_250 = arith.constant 1 : i32
      %sub3A_251 = arith.subi %add3A_249, %sub3A_250 : i32
      %lt3A_252 = arith.constant 32 : i32
      %lt3A_253 = arith.cmpi slt, %sub3A_251, %lt3A_252 : i32
      %convert_element_type3A_254 = arith.extui %lt3A_253 : i1 to i32
      %cond3A_255 = arith.constant 0 : i32
      %cond3A_256 = arith.cmpi ne, %convert_element_type3A_254, %cond3A_255 : i32
      scf.if %cond3A_256 {
        %add3A_417 = arith.constant 4 : i32
        %add3A_418 = arith.addi %add3A_247, %add3A_417 : i32
        %sub3A_419 = arith.constant 1 : i32
        %sub3A_420 = arith.subi %add3A_418, %sub3A_419 : i32
        %mul3A_421 = arith.constant 200 : i32
        %mul3A_422 = arith.muli %sub3A_420, %mul3A_421 : i32
        %dma_start3A_423 = tpu.memref_slice %arg6[%mul3A_422] : memref<6400xi32, #tpu.memory_space<vmem>> -> memref<200xi32, #tpu.memory_space<vmem>>
        %dma_start3A_424 = arith.constant 0 : i32
        %dma_start3A_425 = arith.constant 0 : i32
        %dma_start3A_426 = tpu.memref_slice %arg4[%dma_start3A_424, %dma_start3A_425] : memref<100000x128xf32, #tpu.memory_space<hbm>> -> memref<100000x128xf32, #tpu.memory_space<hbm>>
        tpu.enqueue_indirect_dma source(%dma_start3A_426 : memref<100000x128xf32, #tpu.memory_space<hbm>>) target(%arg7 : memref<200x128xf32, #tpu.memory_space<vmem>>) offsets(%dma_start3A_423 : memref<200xi32, #tpu.memory_space<vmem>>) semaphore(%arg13 : memref<!tpu.dma_semaphore, #tpu.memory_space<semaphore_mem>>)
      } else {
      }
      %dma_wait3A_257 = arith.constant 0 : i32
      %dma_wait3A_258 = arith.constant 0 : i32
      %dma_wait3A_259 = tpu.memref_slice %arg4[%dma_wait3A_257, %dma_wait3A_258] : memref<100000x128xf32, #tpu.memory_space<hbm>> -> memref<200x128xf32, #tpu.memory_space<hbm>>
      %dma_wait3A_260 = arith.constant 0 : i32
      %dma_wait3A_261 = arith.constant 0 : i32
      %dma_wait3A_262 = tpu.memref_slice %arg4[%dma_wait3A_260, %dma_wait3A_261] : memref<100000x128xf32, #tpu.memory_space<hbm>> -> memref<200x128xf32, #tpu.memory_space<hbm>>
      tpu.wait_dma2 semaphore(%arg14 : memref<!tpu.dma_semaphore, #tpu.memory_space<semaphore_mem>>) src(%dma_wait3A_262 : memref<200x128xf32, #tpu.memory_space<hbm>>) dst(%arg8 : memref<200x128xf32, #tpu.memory_space<vmem>>)
      %scan3A_263 = arith.constant 0 : i32
      %scan3A_264 = arith.constant 4 : i32
      %scan3A_265 = arith.addi %scan3A_263, %scan3A_264 : i32
      %scan3A_266 = arith.constant 1 : i32
      %scan3A_267 = scf.for %scan3A_417 = %scan3A_263 to %scan3A_265 step %scan3A_266 iter_args(%scan3A_418 = %broadcast_in_dim3A_1) -> (vector<16xf32>)  : i32 {
        %broadcast_in_dim3A_419 = arith.constant 0.000000e+00 : f32
        %broadcast_in_dim3A_420 = vector.broadcast %broadcast_in_dim3A_419 : f32 to vector<16xf32>
        %broadcast_in_dim3A_421 = arith.constant 0.000000e+00 : f32
        %broadcast_in_dim3A_422 = vector.broadcast %broadcast_in_dim3A_421 : f32 to vector<16xf32>
        %broadcast_in_dim3A_423 = arith.constant 0.000000e+00 : f32
        %broadcast_in_dim3A_424 = vector.broadcast %broadcast_in_dim3A_423 : f32 to vector<16xf32>
        %broadcast_in_dim3A_425 = arith.constant 0.000000e+00 : f32
        %broadcast_in_dim3A_426 = vector.broadcast %broadcast_in_dim3A_425 : f32 to vector<16xf32>
        %broadcast_in_dim3A_427 = arith.constant 0.000000e+00 : f32
        %broadcast_in_dim3A_428 = vector.broadcast %broadcast_in_dim3A_427 : f32 to vector<16xf32>
        %broadcast_in_dim3A_429 = arith.constant 0.000000e+00 : f32
        %broadcast_in_dim3A_430 = vector.broadcast %broadcast_in_dim3A_429 : f32 to vector<16xf32>
        %broadcast_in_dim3A_431 = arith.constant 0.000000e+00 : f32
        %broadcast_in_dim3A_432 = vector.broadcast %broadcast_in_dim3A_431 : f32 to vector<16xf32>
        %broadcast_in_dim3A_433 = arith.constant 0.000000e+00 : f32
        %broadcast_in_dim3A_434 = vector.broadcast %broadcast_in_dim3A_433 : f32 to vector<16xf32>
        %scan3A_435 = arith.constant 0 : i32
        %scan3A_436 = arith.constant 50 : i32
        %scan3A_437 = arith.addi %scan3A_435, %scan3A_436 : i32
        %scan3A_438 = arith.constant 2 : i32
        %scan3A_439:8 = scf.for %scan3A_635 = %scan3A_435 to %scan3A_437 step %scan3A_438 iter_args(%scan3A_636 = %broadcast_in_dim3A_420, %scan3A_637 = %broadcast_in_dim3A_422, %scan3A_638 = %broadcast_in_dim3A_424, %scan3A_639 = %broadcast_in_dim3A_426, %scan3A_640 = %broadcast_in_dim3A_428, %scan3A_641 = %broadcast_in_dim3A_430, %scan3A_642 = %broadcast_in_dim3A_432, %scan3A_643 = %broadcast_in_dim3A_434) -> (vector<16xf32>, vector<16xf32>, vector<16xf32>, vector<16xf32>, vector<16xf32>, vector<16xf32>, vector<16xf32>, vector<16xf32>)  : i32 {
          %mul3A_644 = arith.constant 50 : i32
          %mul3A_645 = arith.muli %scan3A_417, %mul3A_644 : i32
          %add3A_646 = arith.addi %mul3A_645, %scan3A_635 : i32
          %get3A_647 = arith.index_cast %add3A_646 : i32 to index
          %get3A_648 = arith.constant 0 : index
          %get3A_649 = tpu.vector_load %arg8[%get3A_647, %get3A_648] {strides = array<i32>} : memref<200x128xf32, #tpu.memory_space<vmem>>, vector<1x16xf32>,
          %get3A_650 = vector.shape_cast %get3A_649 : vector<1x16xf32> to vector<16xf32>
          %add3A_651 = arith.addf %scan3A_636, %get3A_650 : vector<16xf32>
          %get3A_652 = arith.index_cast %add3A_646 : i32 to index
          %get3A_653 = arith.constant 16 : index
          %get3A_654 = tpu.vector_load %arg8[%get3A_652, %get3A_653] {strides = array<i32>} : memref<200x128xf32, #tpu.memory_space<vmem>>, vector<1x16xf32>,
          %get3A_655 = vector.shape_cast %get3A_654 : vector<1x16xf32> to vector<16xf32>
          %add3A_656 = arith.addf %scan3A_637, %get3A_655 : vector<16xf32>
          %get3A_657 = arith.index_cast %add3A_646 : i32 to index
          %get3A_658 = arith.constant 32 : index
          %get3A_659 = tpu.vector_load %arg8[%get3A_657, %get3A_658] {strides = array<i32>} : memref<200x128xf32, #tpu.memory_space<vmem>>, vector<1x16xf32>,
          %get3A_660 = vector.shape_cast %get3A_659 : vector<1x16xf32> to vector<16xf32>
          %add3A_661 = arith.addf %scan3A_638, %get3A_660 : vector<16xf32>
          %get3A_662 = arith.index_cast %add3A_646 : i32 to index
          %get3A_663 = arith.constant 48 : index
          %get3A_664 = tpu.vector_load %arg8[%get3A_662, %get3A_663] {strides = array<i32>} : memref<200x128xf32, #tpu.memory_space<vmem>>, vector<1x16xf32>,
          %get3A_665 = vector.shape_cast %get3A_664 : vector<1x16xf32> to vector<16xf32>
          %add3A_666 = arith.addf %scan3A_639, %get3A_665 : vector<16xf32>
          %get3A_667 = arith.index_cast %add3A_646 : i32 to index
          %get3A_668 = arith.constant 64 : index
          %get3A_669 = tpu.vector_load %arg8[%get3A_667, %get3A_668] {strides = array<i32>} : memref<200x128xf32, #tpu.memory_space<vmem>>, vector<1x16xf32>,
          %get3A_670 = vector.shape_cast %get3A_669 : vector<1x16xf32> to vector<16xf32>
          %add3A_671 = arith.addf %scan3A_640, %get3A_670 : vector<16xf32>
          %get3A_672 = arith.index_cast %add3A_646 : i32 to index
          %get3A_673 = arith.constant 80 : index
          %get3A_674 = tpu.vector_load %arg8[%get3A_672, %get3A_673] {strides = array<i32>} : memref<200x128xf32, #tpu.memory_space<vmem>>, vector<1x16xf32>,
          %get3A_675 = vector.shape_cast %get3A_674 : vector<1x16xf32> to vector<16xf32>
          %add3A_676 = arith.addf %scan3A_641, %get3A_675 : vector<16xf32>
          %get3A_677 = arith.index_cast %add3A_646 : i32 to index
          %get3A_678 = arith.constant 96 : index
          %get3A_679 = tpu.vector_load %arg8[%get3A_677, %get3A_678] {strides = array<i32>} : memref<200x128xf32, #tpu.memory_space<vmem>>, vector<1x16xf32>,
          %get3A_680 = vector.shape_cast %get3A_679 : vector<1x16xf32> to vector<16xf32>
          %add3A_681 = arith.addf %scan3A_642, %get3A_680 : vector<16xf32>
          %get3A_682 = arith.index_cast %add3A_646 : i32 to index
          %get3A_683 = arith.constant 112 : index
          %get3A_684 = tpu.vector_load %arg8[%get3A_682, %get3A_683] {strides = array<i32>} : memref<200x128xf32, #tpu.memory_space<vmem>>, vector<1x16xf32>,
          %get3A_685 = vector.shape_cast %get3A_684 : vector<1x16xf32> to vector<16xf32>
          %add3A_686 = arith.addf %scan3A_643, %get3A_685 : vector<16xf32>
          %scan3A_687 = arith.constant 1 : i32
          %scan3A_688 = arith.addi %scan3A_635, %scan3A_687 : i32
          %mul3A_689 = arith.constant 50 : i32
          %mul3A_690 = arith.muli %scan3A_417, %mul3A_689 : i32
          %add3A_691 = arith.addi %mul3A_690, %scan3A_688 : i32
          %get3A_692 = arith.index_cast %add3A_691 : i32 to index
          %get3A_693 = arith.constant 0 : index
          %get3A_694 = tpu.vector_load %arg8[%get3A_692, %get3A_693] {strides = array<i32>} : memref<200x128xf32, #tpu.memory_space<vmem>>, vector<1x16xf32>,
          %get3A_695 = vector.shape_cast %get3A_694 : vector<1x16xf32> to vector<16xf32>
          %add3A_696 = arith.addf %add3A_651, %get3A_695 : vector<16xf32>
          %get3A_697 = arith.index_cast %add3A_691 : i32 to index
          %get3A_698 = arith.constant 16 : index
          %get3A_699 = tpu.vector_load %arg8[%get3A_697, %get3A_698] {strides = array<i32>} : memref<200x128xf32, #tpu.memory_space<vmem>>, vector<1x16xf32>,
          %get3A_700 = vector.shape_cast %get3A_699 : vector<1x16xf32> to vector<16xf32>
          %add3A_701 = arith.addf %add3A_656, %get3A_700 : vector<16xf32>
          %get3A_702 = arith.index_cast %add3A_691 : i32 to index
          %get3A_703 = arith.constant 32 : index
          %get3A_704 = tpu.vector_load %arg8[%get3A_702, %get3A_703] {strides = array<i32>} : memref<200x128xf32, #tpu.memory_space<vmem>>, vector<1x16xf32>,
          %get3A_705 = vector.shape_cast %get3A_704 : vector<1x16xf32> to vector<16xf32>
          %add3A_706 = arith.addf %add3A_661, %get3A_705 : vector<16xf32>
          %get3A_707 = arith.index_cast %add3A_691 : i32 to index
          %get3A_708 = arith.constant 48 : index
          %get3A_709 = tpu.vector_load %arg8[%get3A_707, %get3A_708] {strides = array<i32>} : memref<200x128xf32, #tpu.memory_space<vmem>>, vector<1x16xf32>,
          %get3A_710 = vector.shape_cast %get3A_709 : vector<1x16xf32> to vector<16xf32>
          %add3A_711 = arith.addf %add3A_666, %get3A_710 : vector<16xf32>
          %get3A_712 = arith.index_cast %add3A_691 : i32 to index
          %get3A_713 = arith.constant 64 : index
          %get3A_714 = tpu.vector_load %arg8[%get3A_712, %get3A_713] {strides = array<i32>} : memref<200x128xf32, #tpu.memory_space<vmem>>, vector<1x16xf32>,
          %get3A_715 = vector.shape_cast %get3A_714 : vector<1x16xf32> to vector<16xf32>
          %add3A_716 = arith.addf %add3A_671, %get3A_715 : vector<16xf32>
          %get3A_717 = arith.index_cast %add3A_691 : i32 to index
          %get3A_718 = arith.constant 80 : index
          %get3A_719 = tpu.vector_load %arg8[%get3A_717, %get3A_718] {strides = array<i32>} : memref<200x128xf32, #tpu.memory_space<vmem>>, vector<1x16xf32>,
          %get3A_720 = vector.shape_cast %get3A_719 : vector<1x16xf32> to vector<16xf32>
          %add3A_721 = arith.addf %add3A_676, %get3A_720 : vector<16xf32>
          %get3A_722 = arith.index_cast %add3A_691 : i32 to index
          %get3A_723 = arith.constant 96 : index
          %get3A_724 = tpu.vector_load %arg8[%get3A_722, %get3A_723] {strides = array<i32>} : memref<200x128xf32, #tpu.memory_space<vmem>>, vector<1x16xf32>,
          %get3A_725 = vector.shape_cast %get3A_724 : vector<1x16xf32> to vector<16xf32>
          %add3A_726 = arith.addf %add3A_681, %get3A_725 : vector<16xf32>
          %get3A_727 = arith.index_cast %add3A_691 : i32 to index
          %get3A_728 = arith.constant 112 : index
          %get3A_729 = tpu.vector_load %arg8[%get3A_727, %get3A_728] {strides = array<i32>} : memref<200x128xf32, #tpu.memory_space<vmem>>, vector<1x16xf32>,
          %get3A_730 = vector.shape_cast %get3A_729 : vector<1x16xf32> to vector<16xf32>
          %add3A_731 = arith.addf %add3A_686, %get3A_730 : vector<16xf32>
          scf.yield %add3A_696, %add3A_701, %add3A_706, %add3A_711, %add3A_716, %add3A_721, %add3A_726, %add3A_731 : vector<16xf32>, vector<16xf32>, vector<16xf32>, vector<16xf32>, vector<16xf32>, vector<16xf32>, vector<16xf32>, vector<16xf32>
        }
        %scan3A_440 = arith.constant 50 : i32
        %mul3A_441 = arith.constant 2.000000e-02 : f32
        %mul3A_442 = vector.broadcast %mul3A_441 : f32 to vector<16xf32>
        %mul3A_443 = arith.mulf %scan3A_439#0, %mul3A_442 : vector<16xf32>
        %neg3A_444 = arith.constant 0.000000e+00 : f32
        %neg3A_445 = vector.broadcast %neg3A_444 : f32 to vector<16xf32>
        %neg3A_446 = arith.subf %neg3A_445, %mul3A_443 : vector<16xf32>
        %exp3A_447 = math.exp %neg3A_446 : vector<16xf32>
        %add3A_448 = arith.constant 1.000000e+00 : f32
        %add3A_449 = vector.broadcast %add3A_448 : f32 to vector<16xf32>
        %add3A_450 = arith.addf %add3A_449, %exp3A_447 : vector<16xf32>
        %div3A_451 = arith.constant 1.000000e+00 : f32
        %div3A_452 = vector.broadcast %div3A_451 : f32 to vector<16xf32>
        %div3A_453 = arith.divf %div3A_452, %add3A_450 : vector<16xf32>
        %get3A_454 = arith.constant 0 : index
        %get3A_455 = tpu.vector_load %arg11[%get3A_454] {strides = array<i32>} : memref<144xf32, #tpu.memory_space<vmem>>, vector<16xf32>,
        %get3A_456 = vector.shape_cast %get3A_455 : vector<16xf32> to vector<16xf32>
        %mul3A_457 = arith.mulf %div3A_453, %get3A_456 : vector<16xf32>
        %add3A_458 = arith.addf %broadcast_in_dim3A_1, %mul3A_457 : vector<16xf32>
        %mul3A_459 = arith.constant 2.000000e-02 : f32
        %mul3A_460 = vector.broadcast %mul3A_459 : f32 to vector<16xf32>
        %mul3A_461 = arith.mulf %scan3A_439#1, %mul3A_460 : vector<16xf32>
        %neg3A_462 = arith.constant 0.000000e+00 : f32
        %neg3A_463 = vector.broadcast %neg3A_462 : f32 to vector<16xf32>
        %neg3A_464 = arith.subf %neg3A_463, %mul3A_461 : vector<16xf32>
        %exp3A_465 = math.exp %neg3A_464 : vector<16xf32>
        %add3A_466 = arith.constant 1.000000e+00 : f32
        %add3A_467 = vector.broadcast %add3A_466 : f32 to vector<16xf32>
        %add3A_468 = arith.addf %add3A_467, %exp3A_465 : vector<16xf32>
        %div3A_469 = arith.constant 1.000000e+00 : f32
        %div3A_470 = vector.broadcast %div3A_469 : f32 to vector<16xf32>
        %div3A_471 = arith.divf %div3A_470, %add3A_468 : vector<16xf32>
        %get3A_472 = arith.constant 16 : index
        %get3A_473 = tpu.vector_load %arg11[%get3A_472] {strides = array<i32>} : memref<144xf32, #tpu.memory_space<vmem>>, vector<16xf32>,
        %get3A_474 = vector.shape_cast %get3A_473 : vector<16xf32> to vector<16xf32>
        %mul3A_475 = arith.mulf %div3A_471, %get3A_474 : vector<16xf32>
        %add3A_476 = arith.addf %add3A_458, %mul3A_475 : vector<16xf32>
        %mul3A_477 = arith.constant 2.000000e-02 : f32
        %mul3A_478 = vector.broadcast %mul3A_477 : f32 to vector<16xf32>
        %mul3A_479 = arith.mulf %scan3A_439#2, %mul3A_478 : vector<16xf32>
        %neg3A_480 = arith.constant 0.000000e+00 : f32
        %neg3A_481 = vector.broadcast %neg3A_480 : f32 to vector<16xf32>
        %neg3A_482 = arith.subf %neg3A_481, %mul3A_479 : vector<16xf32>
        %exp3A_483 = math.exp %neg3A_482 : vector<16xf32>
        %add3A_484 = arith.constant 1.000000e+00 : f32
        %add3A_485 = vector.broadcast %add3A_484 : f32 to vector<16xf32>
        %add3A_486 = arith.addf %add3A_485, %exp3A_483 : vector<16xf32>
        %div3A_487 = arith.constant 1.000000e+00 : f32
        %div3A_488 = vector.broadcast %div3A_487 : f32 to vector<16xf32>
        %div3A_489 = arith.divf %div3A_488, %add3A_486 : vector<16xf32>
        %get3A_490 = arith.constant 32 : index
        %get3A_491 = tpu.vector_load %arg11[%get3A_490] {strides = array<i32>} : memref<144xf32, #tpu.memory_space<vmem>>, vector<16xf32>,
        %get3A_492 = vector.shape_cast %get3A_491 : vector<16xf32> to vector<16xf32>
        %mul3A_493 = arith.mulf %div3A_489, %get3A_492 : vector<16xf32>
        %add3A_494 = arith.addf %add3A_476, %mul3A_493 : vector<16xf32>
        %mul3A_495 = arith.constant 2.000000e-02 : f32
        %mul3A_496 = vector.broadcast %mul3A_495 : f32 to vector<16xf32>
        %mul3A_497 = arith.mulf %scan3A_439#3, %mul3A_496 : vector<16xf32>
        %neg3A_498 = arith.constant 0.000000e+00 : f32
        %neg3A_499 = vector.broadcast %neg3A_498 : f32 to vector<16xf32>
        %neg3A_500 = arith.subf %neg3A_499, %mul3A_497 : vector<16xf32>
        %exp3A_501 = math.exp %neg3A_500 : vector<16xf32>
        %add3A_502 = arith.constant 1.000000e+00 : f32
        %add3A_503 = vector.broadcast %add3A_502 : f32 to vector<16xf32>
        %add3A_504 = arith.addf %add3A_503, %exp3A_501 : vector<16xf32>
        %div3A_505 = arith.constant 1.000000e+00 : f32
        %div3A_506 = vector.broadcast %div3A_505 : f32 to vector<16xf32>
        %div3A_507 = arith.divf %div3A_506, %add3A_504 : vector<16xf32>
        %get3A_508 = arith.constant 48 : index
        %get3A_509 = tpu.vector_load %arg11[%get3A_508] {strides = array<i32>} : memref<144xf32, #tpu.memory_space<vmem>>, vector<16xf32>,
        %get3A_510 = vector.shape_cast %get3A_509 : vector<16xf32> to vector<16xf32>
        %mul3A_511 = arith.mulf %div3A_507, %get3A_510 : vector<16xf32>
        %add3A_512 = arith.addf %add3A_494, %mul3A_511 : vector<16xf32>
        %mul3A_513 = arith.constant 2.000000e-02 : f32
        %mul3A_514 = vector.broadcast %mul3A_513 : f32 to vector<16xf32>
        %mul3A_515 = arith.mulf %scan3A_439#4, %mul3A_514 : vector<16xf32>
        %neg3A_516 = arith.constant 0.000000e+00 : f32
        %neg3A_517 = vector.broadcast %neg3A_516 : f32 to vector<16xf32>
        %neg3A_518 = arith.subf %neg3A_517, %mul3A_515 : vector<16xf32>
        %exp3A_519 = math.exp %neg3A_518 : vector<16xf32>
        %add3A_520 = arith.constant 1.000000e+00 : f32
        %add3A_521 = vector.broadcast %add3A_520 : f32 to vector<16xf32>
        %add3A_522 = arith.addf %add3A_521, %exp3A_519 : vector<16xf32>
        %div3A_523 = arith.constant 1.000000e+00 : f32
        %div3A_524 = vector.broadcast %div3A_523 : f32 to vector<16xf32>
        %div3A_525 = arith.divf %div3A_524, %add3A_522 : vector<16xf32>
        %get3A_526 = arith.constant 64 : index
        %get3A_527 = tpu.vector_load %arg11[%get3A_526] {strides = array<i32>} : memref<144xf32, #tpu.memory_space<vmem>>, vector<16xf32>,
        %get3A_528 = vector.shape_cast %get3A_527 : vector<16xf32> to vector<16xf32>
        %mul3A_529 = arith.mulf %div3A_525, %get3A_528 : vector<16xf32>
        %add3A_530 = arith.addf %add3A_512, %mul3A_529 : vector<16xf32>
        %mul3A_531 = arith.constant 2.000000e-02 : f32
        %mul3A_532 = vector.broadcast %mul3A_531 : f32 to vector<16xf32>
        %mul3A_533 = arith.mulf %scan3A_439#5, %mul3A_532 : vector<16xf32>
        %neg3A_534 = arith.constant 0.000000e+00 : f32
        %neg3A_535 = vector.broadcast %neg3A_534 : f32 to vector<16xf32>
        %neg3A_536 = arith.subf %neg3A_535, %mul3A_533 : vector<16xf32>
        %exp3A_537 = math.exp %neg3A_536 : vector<16xf32>
        %add3A_538 = arith.constant 1.000000e+00 : f32
        %add3A_539 = vector.broadcast %add3A_538 : f32 to vector<16xf32>
        %add3A_540 = arith.addf %add3A_539, %exp3A_537 : vector<16xf32>
        %div3A_541 = arith.constant 1.000000e+00 : f32
        %div3A_542 = vector.broadcast %div3A_541 : f32 to vector<16xf32>
        %div3A_543 = arith.divf %div3A_542, %add3A_540 : vector<16xf32>
        %get3A_544 = arith.constant 80 : index
        %get3A_545 = tpu.vector_load %arg11[%get3A_544] {strides = array<i32>} : memref<144xf32, #tpu.memory_space<vmem>>, vector<16xf32>,
        %get3A_546 = vector.shape_cast %get3A_545 : vector<16xf32> to vector<16xf32>
        %mul3A_547 = arith.mulf %div3A_543, %get3A_546 : vector<16xf32>
        %add3A_548 = arith.addf %add3A_530, %mul3A_547 : vector<16xf32>
        %mul3A_549 = arith.constant 2.000000e-02 : f32
        %mul3A_550 = vector.broadcast %mul3A_549 : f32 to vector<16xf32>
        %mul3A_551 = arith.mulf %scan3A_439#6, %mul3A_550 : vector<16xf32>
        %neg3A_552 = arith.constant 0.000000e+00 : f32
        %neg3A_553 = vector.broadcast %neg3A_552 : f32 to vector<16xf32>
        %neg3A_554 = arith.subf %neg3A_553, %mul3A_551 : vector<16xf32>
        %exp3A_555 = math.exp %neg3A_554 : vector<16xf32>
        %add3A_556 = arith.constant 1.000000e+00 : f32
        %add3A_557 = vector.broadcast %add3A_556 : f32 to vector<16xf32>
        %add3A_558 = arith.addf %add3A_557, %exp3A_555 : vector<16xf32>
        %div3A_559 = arith.constant 1.000000e+00 : f32
        %div3A_560 = vector.broadcast %div3A_559 : f32 to vector<16xf32>
        %div3A_561 = arith.divf %div3A_560, %add3A_558 : vector<16xf32>
        %get3A_562 = arith.constant 96 : index
        %get3A_563 = tpu.vector_load %arg11[%get3A_562] {strides = array<i32>} : memref<144xf32, #tpu.memory_space<vmem>>, vector<16xf32>,
        %get3A_564 = vector.shape_cast %get3A_563 : vector<16xf32> to vector<16xf32>
        %mul3A_565 = arith.mulf %div3A_561, %get3A_564 : vector<16xf32>
        %add3A_566 = arith.addf %add3A_548, %mul3A_565 : vector<16xf32>
        %mul3A_567 = arith.constant 2.000000e-02 : f32
        %mul3A_568 = vector.broadcast %mul3A_567 : f32 to vector<16xf32>
        %mul3A_569 = arith.mulf %scan3A_439#7, %mul3A_568 : vector<16xf32>
        %neg3A_570 = arith.constant 0.000000e+00 : f32
        %neg3A_571 = vector.broadcast %neg3A_570 : f32 to vector<16xf32>
        %neg3A_572 = arith.subf %neg3A_571, %mul3A_569 : vector<16xf32>
        %exp3A_573 = math.exp %neg3A_572 : vector<16xf32>
        %add3A_574 = arith.constant 1.000000e+00 : f32
        %add3A_575 = vector.broadcast %add3A_574 : f32 to vector<16xf32>
        %add3A_576 = arith.addf %add3A_575, %exp3A_573 : vector<16xf32>
        %div3A_577 = arith.constant 1.000000e+00 : f32
        %div3A_578 = vector.broadcast %div3A_577 : f32 to vector<16xf32>
        %div3A_579 = arith.divf %div3A_578, %add3A_576 : vector<16xf32>
        %get3A_580 = arith.constant 112 : index
        %get3A_581 = tpu.vector_load %arg11[%get3A_580] {strides = array<i32>} : memref<144xf32, #tpu.memory_space<vmem>>, vector<16xf32>,
        %get3A_582 = vector.shape_cast %get3A_581 : vector<16xf32> to vector<16xf32>
        %mul3A_583 = arith.mulf %div3A_579, %get3A_582 : vector<16xf32>
        %add3A_584 = arith.addf %add3A_566, %mul3A_583 : vector<16xf32>
        %iota3A_585 = tpu.iota {dimensions = array<i32: 0>} : vector<16xi32>
        %xor3A = arith.constant 1 : i32
        %xor3A_586 = vector.broadcast %xor3A : i32 to vector<16xi32>
        %xor3A_587 = arith.xori %iota3A_585, %xor3A_586 : vector<16xi32>
        %reshape3A = vector.shape_cast %xor3A_587 : vector<16xi32> to vector<16x1xi32>
        %gather3A = vector.shape_cast %reshape3A : vector<16x1xi32> to vector<16xi32>
        %gather3A_588 = tpu.dynamic_gather %add3A_584[%gather3A] in [0] : vector<16xf32>, vector<16xi32> -> vector<16xf32>
        %add3A_589 = arith.addf %add3A_584, %gather3A_588 : vector<16xf32>
        %iota3A_590 = tpu.iota {dimensions = array<i32: 0>} : vector<16xi32>
        %xor3A_591 = arith.constant 2 : i32
        %xor3A_592 = vector.broadcast %xor3A_591 : i32 to vector<16xi32>
        %xor3A_593 = arith.xori %iota3A_590, %xor3A_592 : vector<16xi32>
        %reshape3A_594 = vector.shape_cast %xor3A_593 : vector<16xi32> to vector<16x1xi32>
        %gather3A_595 = vector.shape_cast %reshape3A_594 : vector<16x1xi32> to vector<16xi32>
        %gather3A_596 = tpu.dynamic_gather %add3A_589[%gather3A_595] in [0] : vector<16xf32>, vector<16xi32> -> vector<16xf32>
        %add3A_597 = arith.addf %add3A_589, %gather3A_596 : vector<16xf32>
        %iota3A_598 = tpu.iota {dimensions = array<i32: 0>} : vector<16xi32>
        %xor3A_599 = arith.constant 4 : i32
        %xor3A_600 = vector.broadcast %xor3A_599 : i32 to vector<16xi32>
        %xor3A_601 = arith.xori %iota3A_598, %xor3A_600 : vector<16xi32>
        %reshape3A_602 = vector.shape_cast %xor3A_601 : vector<16xi32> to vector<16x1xi32>
        %gather3A_603 = vector.shape_cast %reshape3A_602 : vector<16x1xi32> to vector<16xi32>
        %gather3A_604 = tpu.dynamic_gather %add3A_597[%gather3A_603] in [0] : vector<16xf32>, vector<16xi32> -> vector<16xf32>
        %add3A_605 = arith.addf %add3A_597, %gather3A_604 : vector<16xf32>
        %iota3A_606 = tpu.iota {dimensions = array<i32: 0>} : vector<16xi32>
        %xor3A_607 = arith.constant 8 : i32
        %xor3A_608 = vector.broadcast %xor3A_607 : i32 to vector<16xi32>
        %xor3A_609 = arith.xori %iota3A_606, %xor3A_608 : vector<16xi32>
        %reshape3A_610 = vector.shape_cast %xor3A_609 : vector<16xi32> to vector<16x1xi32>
        %gather3A_611 = vector.shape_cast %reshape3A_610 : vector<16x1xi32> to vector<16xi32>
        %gather3A_612 = tpu.dynamic_gather %add3A_605[%gather3A_611] in [0] : vector<16xf32>, vector<16xi32> -> vector<16xf32>
        %add3A_613 = arith.addf %add3A_605, %gather3A_612 : vector<16xf32>
        %jit3A_614 = arith.constant 4 : i32
        %eq3A = arith.constant 0 : i32
        %eq3A_615 = arith.cmpi eq, %jit3A_614, %eq3A : i32
        %jit3A_616 = arith.constant 1 : i32
        %select_n3A_617 = arith.select %eq3A_615, %jit3A_616, %jit3A_614 : i32
        %rem3A_618 = arith.remsi %add3A_247, %select_n3A_617 : i32
        %ne3A_619 = arith.constant 0 : i32
        %ne3A_620 = arith.cmpi ne, %rem3A_618, %ne3A_619 : i32
        %lt3A_621 = arith.constant 0 : i32
        %lt3A_622 = arith.cmpi slt, %rem3A_618, %lt3A_621 : i32
        %lt3A_623 = arith.constant 0 : i32
        %lt3A_624 = arith.cmpi slt, %select_n3A_617, %lt3A_623 : i32
        %ne3A_625 = arith.xori %lt3A_622, %lt3A_624 : i1
        %and3A_626 = arith.andi %ne3A_625, %ne3A_620 : i1
        %add3A_627 = arith.addi %rem3A_618, %select_n3A_617 : i32
        %select_n3A_628 = arith.select %and3A_626, %add3A_627, %rem3A_618 : i32
        %mul3A_629 = arith.constant 4 : i32
        %mul3A_630 = arith.muli %select_n3A_628, %mul3A_629 : i32
        %add3A_631 = arith.addi %mul3A_630, %scan3A_417 : i32
        %eq3A_632 = vector.broadcast %add3A_631 : i32 to vector<16xi32>
        %eq3A_633 = arith.cmpi eq, %iota3A, %eq3A_632 : vector<16xi32>
        %select_n3A_634 = arith.select %eq3A_633, %add3A_613, %scan3A_418 : vector<16xi1>, vector<16xf32>
        scf.yield %select_n3A_634 : vector<16xf32>
      }
      %scan3A_268 = arith.constant 4 : i32
      %jit3A_269 = arith.constant 4 : i32
      %div3A_270 = arith.divsi %add3A_247, %jit3A_269 : i32
      %sign3A_271 = arith.constant 0 : i32
      %sign3A_272 = arith.cmpi sgt, %add3A_247, %sign3A_271 : i32
      %sign3A_273 = arith.extui %sign3A_272 : i1 to i32
      %sign3A_274 = arith.constant 0 : i32
      %sign3A_275 = arith.cmpi slt, %add3A_247, %sign3A_274 : i32
      %sign3A_276 = arith.extui %sign3A_275 : i1 to i32
      %sign3A_277 = arith.subi %sign3A_273, %sign3A_276 : i32
      %sign3A_278 = arith.constant 0 : i32
      %sign3A_279 = arith.cmpi sgt, %jit3A_269, %sign3A_278 : i32
      %sign3A_280 = arith.extui %sign3A_279 : i1 to i32
      %sign3A_281 = arith.constant 0 : i32
      %sign3A_282 = arith.cmpi slt, %jit3A_269, %sign3A_281 : i32
      %sign3A_283 = arith.extui %sign3A_282 : i1 to i32
      %sign3A_284 = arith.subi %sign3A_280, %sign3A_283 : i32
      %ne3A_285 = arith.cmpi ne, %sign3A_277, %sign3A_284 : i32
      %rem3A_286 = arith.remsi %add3A_247, %jit3A_269 : i32
      %ne3A_287 = arith.constant 0 : i32
      %ne3A_288 = arith.cmpi ne, %rem3A_286, %ne3A_287 : i32
      %and3A_289 = arith.andi %ne3A_285, %ne3A_288 : i1
      %sub3A_290 = arith.constant 1 : i32
      %sub3A_291 = arith.subi %div3A_270, %sub3A_290 : i32
      %select_n3A_292 = arith.select %and3A_289, %sub3A_291, %div3A_270 : i32
      %mul3A_293 = arith.constant 16 : i32
      %mul3A_294 = arith.muli %select_n3A_292, %mul3A_293 : i32
      %get3A_295 = arith.index_cast %mul3A_294 : i32 to index
      %get3A_296 = tpu.vector_load %arg12[%get3A_295] {strides = array<i32>} : memref<128xf32, #tpu.memory_space<vmem>>, vector<16xf32>,
      %get3A_297 = vector.shape_cast %get3A_296 : vector<16xf32> to vector<16xf32>
      %add3A_298 = arith.addf %get3A_297, %scan3A_267 : vector<16xf32>
      %swap3A_299 = arith.index_cast %mul3A_294 : i32 to index
      %swap3A_300 = tpu.vector_load %arg12[%swap3A_299] {strides = array<i32>} : memref<128xf32, #tpu.memory_space<vmem>>, vector<16xf32>,
      %swap3A_301 = vector.shape_cast %swap3A_300 : vector<16xf32> to vector<16xf32>
      %swap3A_302 = vector.shape_cast %add3A_298 : vector<16xf32> to vector<16xf32>
      tpu.vector_store %arg12[%swap3A_299], %swap3A_302 {strides = array<i32>} : memref<128xf32, #tpu.memory_space<vmem>>, vector<16xf32>,
      %add3A_303 = arith.constant 2 : i32
      %add3A_304 = arith.addi %mul3A_199, %add3A_303 : i32
      %add3A_305 = arith.constant 4 : i32
      %add3A_306 = arith.addi %add3A_304, %add3A_305 : i32
      %sub3A_307 = arith.constant 1 : i32
      %sub3A_308 = arith.subi %add3A_306, %sub3A_307 : i32
      %lt3A_309 = arith.constant 32 : i32
      %lt3A_310 = arith.cmpi slt, %sub3A_308, %lt3A_309 : i32
      %convert_element_type3A_311 = arith.extui %lt3A_310 : i1 to i32
      %cond3A_312 = arith.constant 0 : i32
      %cond3A_313 = arith.cmpi ne, %convert_element_type3A_311, %cond3A_312 : i32
      scf.if %cond3A_313 {
        %add3A_417 = arith.constant 4 : i32
        %add3A_418 = arith.addi %add3A_304, %add3A_417 : i32
        %sub3A_419 = arith.constant 1 : i32
        %sub3A_420 = arith.subi %add3A_418, %sub3A_419 : i32
        %mul3A_421 = arith.constant 200 : i32
        %mul3A_422 = arith.muli %sub3A_420, %mul3A_421 : i32
        %dma_start3A_423 = tpu.memref_slice %arg6[%mul3A_422] : memref<6400xi32, #tpu.memory_space<vmem>> -> memref<200xi32, #tpu.memory_space<vmem>>
        %dma_start3A_424 = arith.constant 0 : i32
        %dma_start3A_425 = arith.constant 0 : i32
        %dma_start3A_426 = tpu.memref_slice %arg4[%dma_start3A_424, %dma_start3A_425] : memref<100000x128xf32, #tpu.memory_space<hbm>> -> memref<100000x128xf32, #tpu.memory_space<hbm>>
        tpu.enqueue_indirect_dma source(%dma_start3A_426 : memref<100000x128xf32, #tpu.memory_space<hbm>>) target(%arg8 : memref<200x128xf32, #tpu.memory_space<vmem>>) offsets(%dma_start3A_423 : memref<200xi32, #tpu.memory_space<vmem>>) semaphore(%arg14 : memref<!tpu.dma_semaphore, #tpu.memory_space<semaphore_mem>>)
      } else {
      }
      %dma_wait3A_314 = arith.constant 0 : i32
      %dma_wait3A_315 = arith.constant 0 : i32
      %dma_wait3A_316 = tpu.memref_slice %arg4[%dma_wait3A_314, %dma_wait3A_315] : memref<100000x128xf32, #tpu.memory_space<hbm>> -> memref<200x128xf32, #tpu.memory_space<hbm>>
      %dma_wait3A_317 = arith.constant 0 : i32
      %dma_wait3A_318 = arith.constant 0 : i32
      %dma_wait3A_319 = tpu.memref_slice %arg4[%dma_wait3A_317, %dma_wait3A_318] : memref<100000x128xf32, #tpu.memory_space<hbm>> -> memref<200x128xf32, #tpu.memory_space<hbm>>
      tpu.wait_dma2 semaphore(%arg15 : memref<!tpu.dma_semaphore, #tpu.memory_space<semaphore_mem>>) src(%dma_wait3A_319 : memref<200x128xf32, #tpu.memory_space<hbm>>) dst(%arg9 : memref<200x128xf32, #tpu.memory_space<vmem>>)
      %scan3A_320 = arith.constant 0 : i32
      %scan3A_321 = arith.constant 4 : i32
      %scan3A_322 = arith.addi %scan3A_320, %scan3A_321 : i32
      %scan3A_323 = arith.constant 1 : i32
      %scan3A_324 = scf.for %scan3A_417 = %scan3A_320 to %scan3A_322 step %scan3A_323 iter_args(%scan3A_418 = %broadcast_in_dim3A_1) -> (vector<16xf32>)  : i32 {
        %broadcast_in_dim3A_419 = arith.constant 0.000000e+00 : f32
        %broadcast_in_dim3A_420 = vector.broadcast %broadcast_in_dim3A_419 : f32 to vector<16xf32>
        %broadcast_in_dim3A_421 = arith.constant 0.000000e+00 : f32
        %broadcast_in_dim3A_422 = vector.broadcast %broadcast_in_dim3A_421 : f32 to vector<16xf32>
        %broadcast_in_dim3A_423 = arith.constant 0.000000e+00 : f32
        %broadcast_in_dim3A_424 = vector.broadcast %broadcast_in_dim3A_423 : f32 to vector<16xf32>
        %broadcast_in_dim3A_425 = arith.constant 0.000000e+00 : f32
        %broadcast_in_dim3A_426 = vector.broadcast %broadcast_in_dim3A_425 : f32 to vector<16xf32>
        %broadcast_in_dim3A_427 = arith.constant 0.000000e+00 : f32
        %broadcast_in_dim3A_428 = vector.broadcast %broadcast_in_dim3A_427 : f32 to vector<16xf32>
        %broadcast_in_dim3A_429 = arith.constant 0.000000e+00 : f32
        %broadcast_in_dim3A_430 = vector.broadcast %broadcast_in_dim3A_429 : f32 to vector<16xf32>
        %broadcast_in_dim3A_431 = arith.constant 0.000000e+00 : f32
        %broadcast_in_dim3A_432 = vector.broadcast %broadcast_in_dim3A_431 : f32 to vector<16xf32>
        %broadcast_in_dim3A_433 = arith.constant 0.000000e+00 : f32
        %broadcast_in_dim3A_434 = vector.broadcast %broadcast_in_dim3A_433 : f32 to vector<16xf32>
        %scan3A_435 = arith.constant 0 : i32
        %scan3A_436 = arith.constant 50 : i32
        %scan3A_437 = arith.addi %scan3A_435, %scan3A_436 : i32
        %scan3A_438 = arith.constant 2 : i32
        %scan3A_439:8 = scf.for %scan3A_635 = %scan3A_435 to %scan3A_437 step %scan3A_438 iter_args(%scan3A_636 = %broadcast_in_dim3A_420, %scan3A_637 = %broadcast_in_dim3A_422, %scan3A_638 = %broadcast_in_dim3A_424, %scan3A_639 = %broadcast_in_dim3A_426, %scan3A_640 = %broadcast_in_dim3A_428, %scan3A_641 = %broadcast_in_dim3A_430, %scan3A_642 = %broadcast_in_dim3A_432, %scan3A_643 = %broadcast_in_dim3A_434) -> (vector<16xf32>, vector<16xf32>, vector<16xf32>, vector<16xf32>, vector<16xf32>, vector<16xf32>, vector<16xf32>, vector<16xf32>)  : i32 {
          %mul3A_644 = arith.constant 50 : i32
          %mul3A_645 = arith.muli %scan3A_417, %mul3A_644 : i32
          %add3A_646 = arith.addi %mul3A_645, %scan3A_635 : i32
          %get3A_647 = arith.index_cast %add3A_646 : i32 to index
          %get3A_648 = arith.constant 0 : index
          %get3A_649 = tpu.vector_load %arg9[%get3A_647, %get3A_648] {strides = array<i32>} : memref<200x128xf32, #tpu.memory_space<vmem>>, vector<1x16xf32>,
          %get3A_650 = vector.shape_cast %get3A_649 : vector<1x16xf32> to vector<16xf32>
          %add3A_651 = arith.addf %scan3A_636, %get3A_650 : vector<16xf32>
          %get3A_652 = arith.index_cast %add3A_646 : i32 to index
          %get3A_653 = arith.constant 16 : index
          %get3A_654 = tpu.vector_load %arg9[%get3A_652, %get3A_653] {strides = array<i32>} : memref<200x128xf32, #tpu.memory_space<vmem>>, vector<1x16xf32>,
          %get3A_655 = vector.shape_cast %get3A_654 : vector<1x16xf32> to vector<16xf32>
          %add3A_656 = arith.addf %scan3A_637, %get3A_655 : vector<16xf32>
          %get3A_657 = arith.index_cast %add3A_646 : i32 to index
          %get3A_658 = arith.constant 32 : index
          %get3A_659 = tpu.vector_load %arg9[%get3A_657, %get3A_658] {strides = array<i32>} : memref<200x128xf32, #tpu.memory_space<vmem>>, vector<1x16xf32>,
          %get3A_660 = vector.shape_cast %get3A_659 : vector<1x16xf32> to vector<16xf32>
          %add3A_661 = arith.addf %scan3A_638, %get3A_660 : vector<16xf32>
          %get3A_662 = arith.index_cast %add3A_646 : i32 to index
          %get3A_663 = arith.constant 48 : index
          %get3A_664 = tpu.vector_load %arg9[%get3A_662, %get3A_663] {strides = array<i32>} : memref<200x128xf32, #tpu.memory_space<vmem>>, vector<1x16xf32>,
          %get3A_665 = vector.shape_cast %get3A_664 : vector<1x16xf32> to vector<16xf32>
          %add3A_666 = arith.addf %scan3A_639, %get3A_665 : vector<16xf32>
          %get3A_667 = arith.index_cast %add3A_646 : i32 to index
          %get3A_668 = arith.constant 64 : index
          %get3A_669 = tpu.vector_load %arg9[%get3A_667, %get3A_668] {strides = array<i32>} : memref<200x128xf32, #tpu.memory_space<vmem>>, vector<1x16xf32>,
          %get3A_670 = vector.shape_cast %get3A_669 : vector<1x16xf32> to vector<16xf32>
          %add3A_671 = arith.addf %scan3A_640, %get3A_670 : vector<16xf32>
          %get3A_672 = arith.index_cast %add3A_646 : i32 to index
          %get3A_673 = arith.constant 80 : index
          %get3A_674 = tpu.vector_load %arg9[%get3A_672, %get3A_673] {strides = array<i32>} : memref<200x128xf32, #tpu.memory_space<vmem>>, vector<1x16xf32>,
          %get3A_675 = vector.shape_cast %get3A_674 : vector<1x16xf32> to vector<16xf32>
          %add3A_676 = arith.addf %scan3A_641, %get3A_675 : vector<16xf32>
          %get3A_677 = arith.index_cast %add3A_646 : i32 to index
          %get3A_678 = arith.constant 96 : index
          %get3A_679 = tpu.vector_load %arg9[%get3A_677, %get3A_678] {strides = array<i32>} : memref<200x128xf32, #tpu.memory_space<vmem>>, vector<1x16xf32>,
          %get3A_680 = vector.shape_cast %get3A_679 : vector<1x16xf32> to vector<16xf32>
          %add3A_681 = arith.addf %scan3A_642, %get3A_680 : vector<16xf32>
          %get3A_682 = arith.index_cast %add3A_646 : i32 to index
          %get3A_683 = arith.constant 112 : index
          %get3A_684 = tpu.vector_load %arg9[%get3A_682, %get3A_683] {strides = array<i32>} : memref<200x128xf32, #tpu.memory_space<vmem>>, vector<1x16xf32>,
          %get3A_685 = vector.shape_cast %get3A_684 : vector<1x16xf32> to vector<16xf32>
          %add3A_686 = arith.addf %scan3A_643, %get3A_685 : vector<16xf32>
          %scan3A_687 = arith.constant 1 : i32
          %scan3A_688 = arith.addi %scan3A_635, %scan3A_687 : i32
          %mul3A_689 = arith.constant 50 : i32
          %mul3A_690 = arith.muli %scan3A_417, %mul3A_689 : i32
          %add3A_691 = arith.addi %mul3A_690, %scan3A_688 : i32
          %get3A_692 = arith.index_cast %add3A_691 : i32 to index
          %get3A_693 = arith.constant 0 : index
          %get3A_694 = tpu.vector_load %arg9[%get3A_692, %get3A_693] {strides = array<i32>} : memref<200x128xf32, #tpu.memory_space<vmem>>, vector<1x16xf32>,
          %get3A_695 = vector.shape_cast %get3A_694 : vector<1x16xf32> to vector<16xf32>
          %add3A_696 = arith.addf %add3A_651, %get3A_695 : vector<16xf32>
          %get3A_697 = arith.index_cast %add3A_691 : i32 to index
          %get3A_698 = arith.constant 16 : index
          %get3A_699 = tpu.vector_load %arg9[%get3A_697, %get3A_698] {strides = array<i32>} : memref<200x128xf32, #tpu.memory_space<vmem>>, vector<1x16xf32>,
          %get3A_700 = vector.shape_cast %get3A_699 : vector<1x16xf32> to vector<16xf32>
          %add3A_701 = arith.addf %add3A_656, %get3A_700 : vector<16xf32>
          %get3A_702 = arith.index_cast %add3A_691 : i32 to index
          %get3A_703 = arith.constant 32 : index
          %get3A_704 = tpu.vector_load %arg9[%get3A_702, %get3A_703] {strides = array<i32>} : memref<200x128xf32, #tpu.memory_space<vmem>>, vector<1x16xf32>,
          %get3A_705 = vector.shape_cast %get3A_704 : vector<1x16xf32> to vector<16xf32>
          %add3A_706 = arith.addf %add3A_661, %get3A_705 : vector<16xf32>
          %get3A_707 = arith.index_cast %add3A_691 : i32 to index
          %get3A_708 = arith.constant 48 : index
          %get3A_709 = tpu.vector_load %arg9[%get3A_707, %get3A_708] {strides = array<i32>} : memref<200x128xf32, #tpu.memory_space<vmem>>, vector<1x16xf32>,
          %get3A_710 = vector.shape_cast %get3A_709 : vector<1x16xf32> to vector<16xf32>
          %add3A_711 = arith.addf %add3A_666, %get3A_710 : vector<16xf32>
          %get3A_712 = arith.index_cast %add3A_691 : i32 to index
          %get3A_713 = arith.constant 64 : index
          %get3A_714 = tpu.vector_load %arg9[%get3A_712, %get3A_713] {strides = array<i32>} : memref<200x128xf32, #tpu.memory_space<vmem>>, vector<1x16xf32>,
          %get3A_715 = vector.shape_cast %get3A_714 : vector<1x16xf32> to vector<16xf32>
          %add3A_716 = arith.addf %add3A_671, %get3A_715 : vector<16xf32>
          %get3A_717 = arith.index_cast %add3A_691 : i32 to index
          %get3A_718 = arith.constant 80 : index
          %get3A_719 = tpu.vector_load %arg9[%get3A_717, %get3A_718] {strides = array<i32>} : memref<200x128xf32, #tpu.memory_space<vmem>>, vector<1x16xf32>,
          %get3A_720 = vector.shape_cast %get3A_719 : vector<1x16xf32> to vector<16xf32>
          %add3A_721 = arith.addf %add3A_676, %get3A_720 : vector<16xf32>
          %get3A_722 = arith.index_cast %add3A_691 : i32 to index
          %get3A_723 = arith.constant 96 : index
          %get3A_724 = tpu.vector_load %arg9[%get3A_722, %get3A_723] {strides = array<i32>} : memref<200x128xf32, #tpu.memory_space<vmem>>, vector<1x16xf32>,
          %get3A_725 = vector.shape_cast %get3A_724 : vector<1x16xf32> to vector<16xf32>
          %add3A_726 = arith.addf %add3A_681, %get3A_725 : vector<16xf32>
          %get3A_727 = arith.index_cast %add3A_691 : i32 to index
          %get3A_728 = arith.constant 112 : index
          %get3A_729 = tpu.vector_load %arg9[%get3A_727, %get3A_728] {strides = array<i32>} : memref<200x128xf32, #tpu.memory_space<vmem>>, vector<1x16xf32>,
          %get3A_730 = vector.shape_cast %get3A_729 : vector<1x16xf32> to vector<16xf32>
          %add3A_731 = arith.addf %add3A_686, %get3A_730 : vector<16xf32>
          scf.yield %add3A_696, %add3A_701, %add3A_706, %add3A_711, %add3A_716, %add3A_721, %add3A_726, %add3A_731 : vector<16xf32>, vector<16xf32>, vector<16xf32>, vector<16xf32>, vector<16xf32>, vector<16xf32>, vector<16xf32>, vector<16xf32>
        }
        %scan3A_440 = arith.constant 50 : i32
        %mul3A_441 = arith.constant 2.000000e-02 : f32
        %mul3A_442 = vector.broadcast %mul3A_441 : f32 to vector<16xf32>
        %mul3A_443 = arith.mulf %scan3A_439#0, %mul3A_442 : vector<16xf32>
        %neg3A_444 = arith.constant 0.000000e+00 : f32
        %neg3A_445 = vector.broadcast %neg3A_444 : f32 to vector<16xf32>
        %neg3A_446 = arith.subf %neg3A_445, %mul3A_443 : vector<16xf32>
        %exp3A_447 = math.exp %neg3A_446 : vector<16xf32>
        %add3A_448 = arith.constant 1.000000e+00 : f32
        %add3A_449 = vector.broadcast %add3A_448 : f32 to vector<16xf32>
        %add3A_450 = arith.addf %add3A_449, %exp3A_447 : vector<16xf32>
        %div3A_451 = arith.constant 1.000000e+00 : f32
        %div3A_452 = vector.broadcast %div3A_451 : f32 to vector<16xf32>
        %div3A_453 = arith.divf %div3A_452, %add3A_450 : vector<16xf32>
        %get3A_454 = arith.constant 0 : index
        %get3A_455 = tpu.vector_load %arg11[%get3A_454] {strides = array<i32>} : memref<144xf32, #tpu.memory_space<vmem>>, vector<16xf32>,
        %get3A_456 = vector.shape_cast %get3A_455 : vector<16xf32> to vector<16xf32>
        %mul3A_457 = arith.mulf %div3A_453, %get3A_456 : vector<16xf32>
        %add3A_458 = arith.addf %broadcast_in_dim3A_1, %mul3A_457 : vector<16xf32>
        %mul3A_459 = arith.constant 2.000000e-02 : f32
        %mul3A_460 = vector.broadcast %mul3A_459 : f32 to vector<16xf32>
        %mul3A_461 = arith.mulf %scan3A_439#1, %mul3A_460 : vector<16xf32>
        %neg3A_462 = arith.constant 0.000000e+00 : f32
        %neg3A_463 = vector.broadcast %neg3A_462 : f32 to vector<16xf32>
        %neg3A_464 = arith.subf %neg3A_463, %mul3A_461 : vector<16xf32>
        %exp3A_465 = math.exp %neg3A_464 : vector<16xf32>
        %add3A_466 = arith.constant 1.000000e+00 : f32
        %add3A_467 = vector.broadcast %add3A_466 : f32 to vector<16xf32>
        %add3A_468 = arith.addf %add3A_467, %exp3A_465 : vector<16xf32>
        %div3A_469 = arith.constant 1.000000e+00 : f32
        %div3A_470 = vector.broadcast %div3A_469 : f32 to vector<16xf32>
        %div3A_471 = arith.divf %div3A_470, %add3A_468 : vector<16xf32>
        %get3A_472 = arith.constant 16 : index
        %get3A_473 = tpu.vector_load %arg11[%get3A_472] {strides = array<i32>} : memref<144xf32, #tpu.memory_space<vmem>>, vector<16xf32>,
        %get3A_474 = vector.shape_cast %get3A_473 : vector<16xf32> to vector<16xf32>
        %mul3A_475 = arith.mulf %div3A_471, %get3A_474 : vector<16xf32>
        %add3A_476 = arith.addf %add3A_458, %mul3A_475 : vector<16xf32>
        %mul3A_477 = arith.constant 2.000000e-02 : f32
        %mul3A_478 = vector.broadcast %mul3A_477 : f32 to vector<16xf32>
        %mul3A_479 = arith.mulf %scan3A_439#2, %mul3A_478 : vector<16xf32>
        %neg3A_480 = arith.constant 0.000000e+00 : f32
        %neg3A_481 = vector.broadcast %neg3A_480 : f32 to vector<16xf32>
        %neg3A_482 = arith.subf %neg3A_481, %mul3A_479 : vector<16xf32>
        %exp3A_483 = math.exp %neg3A_482 : vector<16xf32>
        %add3A_484 = arith.constant 1.000000e+00 : f32
        %add3A_485 = vector.broadcast %add3A_484 : f32 to vector<16xf32>
        %add3A_486 = arith.addf %add3A_485, %exp3A_483 : vector<16xf32>
        %div3A_487 = arith.constant 1.000000e+00 : f32
        %div3A_488 = vector.broadcast %div3A_487 : f32 to vector<16xf32>
        %div3A_489 = arith.divf %div3A_488, %add3A_486 : vector<16xf32>
        %get3A_490 = arith.constant 32 : index
        %get3A_491 = tpu.vector_load %arg11[%get3A_490] {strides = array<i32>} : memref<144xf32, #tpu.memory_space<vmem>>, vector<16xf32>,
        %get3A_492 = vector.shape_cast %get3A_491 : vector<16xf32> to vector<16xf32>
        %mul3A_493 = arith.mulf %div3A_489, %get3A_492 : vector<16xf32>
        %add3A_494 = arith.addf %add3A_476, %mul3A_493 : vector<16xf32>
        %mul3A_495 = arith.constant 2.000000e-02 : f32
        %mul3A_496 = vector.broadcast %mul3A_495 : f32 to vector<16xf32>
        %mul3A_497 = arith.mulf %scan3A_439#3, %mul3A_496 : vector<16xf32>
        %neg3A_498 = arith.constant 0.000000e+00 : f32
        %neg3A_499 = vector.broadcast %neg3A_498 : f32 to vector<16xf32>
        %neg3A_500 = arith.subf %neg3A_499, %mul3A_497 : vector<16xf32>
        %exp3A_501 = math.exp %neg3A_500 : vector<16xf32>
        %add3A_502 = arith.constant 1.000000e+00 : f32
        %add3A_503 = vector.broadcast %add3A_502 : f32 to vector<16xf32>
        %add3A_504 = arith.addf %add3A_503, %exp3A_501 : vector<16xf32>
        %div3A_505 = arith.constant 1.000000e+00 : f32
        %div3A_506 = vector.broadcast %div3A_505 : f32 to vector<16xf32>
        %div3A_507 = arith.divf %div3A_506, %add3A_504 : vector<16xf32>
        %get3A_508 = arith.constant 48 : index
        %get3A_509 = tpu.vector_load %arg11[%get3A_508] {strides = array<i32>} : memref<144xf32, #tpu.memory_space<vmem>>, vector<16xf32>,
        %get3A_510 = vector.shape_cast %get3A_509 : vector<16xf32> to vector<16xf32>
        %mul3A_511 = arith.mulf %div3A_507, %get3A_510 : vector<16xf32>
        %add3A_512 = arith.addf %add3A_494, %mul3A_511 : vector<16xf32>
        %mul3A_513 = arith.constant 2.000000e-02 : f32
        %mul3A_514 = vector.broadcast %mul3A_513 : f32 to vector<16xf32>
        %mul3A_515 = arith.mulf %scan3A_439#4, %mul3A_514 : vector<16xf32>
        %neg3A_516 = arith.constant 0.000000e+00 : f32
        %neg3A_517 = vector.broadcast %neg3A_516 : f32 to vector<16xf32>
        %neg3A_518 = arith.subf %neg3A_517, %mul3A_515 : vector<16xf32>
        %exp3A_519 = math.exp %neg3A_518 : vector<16xf32>
        %add3A_520 = arith.constant 1.000000e+00 : f32
        %add3A_521 = vector.broadcast %add3A_520 : f32 to vector<16xf32>
        %add3A_522 = arith.addf %add3A_521, %exp3A_519 : vector<16xf32>
        %div3A_523 = arith.constant 1.000000e+00 : f32
        %div3A_524 = vector.broadcast %div3A_523 : f32 to vector<16xf32>
        %div3A_525 = arith.divf %div3A_524, %add3A_522 : vector<16xf32>
        %get3A_526 = arith.constant 64 : index
        %get3A_527 = tpu.vector_load %arg11[%get3A_526] {strides = array<i32>} : memref<144xf32, #tpu.memory_space<vmem>>, vector<16xf32>,
        %get3A_528 = vector.shape_cast %get3A_527 : vector<16xf32> to vector<16xf32>
        %mul3A_529 = arith.mulf %div3A_525, %get3A_528 : vector<16xf32>
        %add3A_530 = arith.addf %add3A_512, %mul3A_529 : vector<16xf32>
        %mul3A_531 = arith.constant 2.000000e-02 : f32
        %mul3A_532 = vector.broadcast %mul3A_531 : f32 to vector<16xf32>
        %mul3A_533 = arith.mulf %scan3A_439#5, %mul3A_532 : vector<16xf32>
        %neg3A_534 = arith.constant 0.000000e+00 : f32
        %neg3A_535 = vector.broadcast %neg3A_534 : f32 to vector<16xf32>
        %neg3A_536 = arith.subf %neg3A_535, %mul3A_533 : vector<16xf32>
        %exp3A_537 = math.exp %neg3A_536 : vector<16xf32>
        %add3A_538 = arith.constant 1.000000e+00 : f32
        %add3A_539 = vector.broadcast %add3A_538 : f32 to vector<16xf32>
        %add3A_540 = arith.addf %add3A_539, %exp3A_537 : vector<16xf32>
        %div3A_541 = arith.constant 1.000000e+00 : f32
        %div3A_542 = vector.broadcast %div3A_541 : f32 to vector<16xf32>
        %div3A_543 = arith.divf %div3A_542, %add3A_540 : vector<16xf32>
        %get3A_544 = arith.constant 80 : index
        %get3A_545 = tpu.vector_load %arg11[%get3A_544] {strides = array<i32>} : memref<144xf32, #tpu.memory_space<vmem>>, vector<16xf32>,
        %get3A_546 = vector.shape_cast %get3A_545 : vector<16xf32> to vector<16xf32>
        %mul3A_547 = arith.mulf %div3A_543, %get3A_546 : vector<16xf32>
        %add3A_548 = arith.addf %add3A_530, %mul3A_547 : vector<16xf32>
        %mul3A_549 = arith.constant 2.000000e-02 : f32
        %mul3A_550 = vector.broadcast %mul3A_549 : f32 to vector<16xf32>
        %mul3A_551 = arith.mulf %scan3A_439#6, %mul3A_550 : vector<16xf32>
        %neg3A_552 = arith.constant 0.000000e+00 : f32
        %neg3A_553 = vector.broadcast %neg3A_552 : f32 to vector<16xf32>
        %neg3A_554 = arith.subf %neg3A_553, %mul3A_551 : vector<16xf32>
        %exp3A_555 = math.exp %neg3A_554 : vector<16xf32>
        %add3A_556 = arith.constant 1.000000e+00 : f32
        %add3A_557 = vector.broadcast %add3A_556 : f32 to vector<16xf32>
        %add3A_558 = arith.addf %add3A_557, %exp3A_555 : vector<16xf32>
        %div3A_559 = arith.constant 1.000000e+00 : f32
        %div3A_560 = vector.broadcast %div3A_559 : f32 to vector<16xf32>
        %div3A_561 = arith.divf %div3A_560, %add3A_558 : vector<16xf32>
        %get3A_562 = arith.constant 96 : index
        %get3A_563 = tpu.vector_load %arg11[%get3A_562] {strides = array<i32>} : memref<144xf32, #tpu.memory_space<vmem>>, vector<16xf32>,
        %get3A_564 = vector.shape_cast %get3A_563 : vector<16xf32> to vector<16xf32>
        %mul3A_565 = arith.mulf %div3A_561, %get3A_564 : vector<16xf32>
        %add3A_566 = arith.addf %add3A_548, %mul3A_565 : vector<16xf32>
        %mul3A_567 = arith.constant 2.000000e-02 : f32
        %mul3A_568 = vector.broadcast %mul3A_567 : f32 to vector<16xf32>
        %mul3A_569 = arith.mulf %scan3A_439#7, %mul3A_568 : vector<16xf32>
        %neg3A_570 = arith.constant 0.000000e+00 : f32
        %neg3A_571 = vector.broadcast %neg3A_570 : f32 to vector<16xf32>
        %neg3A_572 = arith.subf %neg3A_571, %mul3A_569 : vector<16xf32>
        %exp3A_573 = math.exp %neg3A_572 : vector<16xf32>
        %add3A_574 = arith.constant 1.000000e+00 : f32
        %add3A_575 = vector.broadcast %add3A_574 : f32 to vector<16xf32>
        %add3A_576 = arith.addf %add3A_575, %exp3A_573 : vector<16xf32>
        %div3A_577 = arith.constant 1.000000e+00 : f32
        %div3A_578 = vector.broadcast %div3A_577 : f32 to vector<16xf32>
        %div3A_579 = arith.divf %div3A_578, %add3A_576 : vector<16xf32>
        %get3A_580 = arith.constant 112 : index
        %get3A_581 = tpu.vector_load %arg11[%get3A_580] {strides = array<i32>} : memref<144xf32, #tpu.memory_space<vmem>>, vector<16xf32>,
        %get3A_582 = vector.shape_cast %get3A_581 : vector<16xf32> to vector<16xf32>
        %mul3A_583 = arith.mulf %div3A_579, %get3A_582 : vector<16xf32>
        %add3A_584 = arith.addf %add3A_566, %mul3A_583 : vector<16xf32>
        %iota3A_585 = tpu.iota {dimensions = array<i32: 0>} : vector<16xi32>
        %xor3A = arith.constant 1 : i32
        %xor3A_586 = vector.broadcast %xor3A : i32 to vector<16xi32>
        %xor3A_587 = arith.xori %iota3A_585, %xor3A_586 : vector<16xi32>
        %reshape3A = vector.shape_cast %xor3A_587 : vector<16xi32> to vector<16x1xi32>
        %gather3A = vector.shape_cast %reshape3A : vector<16x1xi32> to vector<16xi32>
        %gather3A_588 = tpu.dynamic_gather %add3A_584[%gather3A] in [0] : vector<16xf32>, vector<16xi32> -> vector<16xf32>
        %add3A_589 = arith.addf %add3A_584, %gather3A_588 : vector<16xf32>
        %iota3A_590 = tpu.iota {dimensions = array<i32: 0>} : vector<16xi32>
        %xor3A_591 = arith.constant 2 : i32
        %xor3A_592 = vector.broadcast %xor3A_591 : i32 to vector<16xi32>
        %xor3A_593 = arith.xori %iota3A_590, %xor3A_592 : vector<16xi32>
        %reshape3A_594 = vector.shape_cast %xor3A_593 : vector<16xi32> to vector<16x1xi32>
        %gather3A_595 = vector.shape_cast %reshape3A_594 : vector<16x1xi32> to vector<16xi32>
        %gather3A_596 = tpu.dynamic_gather %add3A_589[%gather3A_595] in [0] : vector<16xf32>, vector<16xi32> -> vector<16xf32>
        %add3A_597 = arith.addf %add3A_589, %gather3A_596 : vector<16xf32>
        %iota3A_598 = tpu.iota {dimensions = array<i32: 0>} : vector<16xi32>
        %xor3A_599 = arith.constant 4 : i32
        %xor3A_600 = vector.broadcast %xor3A_599 : i32 to vector<16xi32>
        %xor3A_601 = arith.xori %iota3A_598, %xor3A_600 : vector<16xi32>
        %reshape3A_602 = vector.shape_cast %xor3A_601 : vector<16xi32> to vector<16x1xi32>
        %gather3A_603 = vector.shape_cast %reshape3A_602 : vector<16x1xi32> to vector<16xi32>
        %gather3A_604 = tpu.dynamic_gather %add3A_597[%gather3A_603] in [0] : vector<16xf32>, vector<16xi32> -> vector<16xf32>
        %add3A_605 = arith.addf %add3A_597, %gather3A_604 : vector<16xf32>
        %iota3A_606 = tpu.iota {dimensions = array<i32: 0>} : vector<16xi32>
        %xor3A_607 = arith.constant 8 : i32
        %xor3A_608 = vector.broadcast %xor3A_607 : i32 to vector<16xi32>
        %xor3A_609 = arith.xori %iota3A_606, %xor3A_608 : vector<16xi32>
        %reshape3A_610 = vector.shape_cast %xor3A_609 : vector<16xi32> to vector<16x1xi32>
        %gather3A_611 = vector.shape_cast %reshape3A_610 : vector<16x1xi32> to vector<16xi32>
        %gather3A_612 = tpu.dynamic_gather %add3A_605[%gather3A_611] in [0] : vector<16xf32>, vector<16xi32> -> vector<16xf32>
        %add3A_613 = arith.addf %add3A_605, %gather3A_612 : vector<16xf32>
        %jit3A_614 = arith.constant 4 : i32
        %eq3A = arith.constant 0 : i32
        %eq3A_615 = arith.cmpi eq, %jit3A_614, %eq3A : i32
        %jit3A_616 = arith.constant 1 : i32
        %select_n3A_617 = arith.select %eq3A_615, %jit3A_616, %jit3A_614 : i32
        %rem3A_618 = arith.remsi %add3A_304, %select_n3A_617 : i32
        %ne3A_619 = arith.constant 0 : i32
        %ne3A_620 = arith.cmpi ne, %rem3A_618, %ne3A_619 : i32
        %lt3A_621 = arith.constant 0 : i32
        %lt3A_622 = arith.cmpi slt, %rem3A_618, %lt3A_621 : i32
        %lt3A_623 = arith.constant 0 : i32
        %lt3A_624 = arith.cmpi slt, %select_n3A_617, %lt3A_623 : i32
        %ne3A_625 = arith.xori %lt3A_622, %lt3A_624 : i1
        %and3A_626 = arith.andi %ne3A_625, %ne3A_620 : i1
        %add3A_627 = arith.addi %rem3A_618, %select_n3A_617 : i32
        %select_n3A_628 = arith.select %and3A_626, %add3A_627, %rem3A_618 : i32
        %mul3A_629 = arith.constant 4 : i32
        %mul3A_630 = arith.muli %select_n3A_628, %mul3A_629 : i32
        %add3A_631 = arith.addi %mul3A_630, %scan3A_417 : i32
        %eq3A_632 = vector.broadcast %add3A_631 : i32 to vector<16xi32>
        %eq3A_633 = arith.cmpi eq, %iota3A, %eq3A_632 : vector<16xi32>
        %select_n3A_634 = arith.select %eq3A_633, %add3A_613, %scan3A_418 : vector<16xi1>, vector<16xf32>
        scf.yield %select_n3A_634 : vector<16xf32>
      }
      %scan3A_325 = arith.constant 4 : i32
      %jit3A_326 = arith.constant 4 : i32
      %div3A_327 = arith.divsi %add3A_304, %jit3A_326 : i32
      %sign3A_328 = arith.constant 0 : i32
      %sign3A_329 = arith.cmpi sgt, %add3A_304, %sign3A_328 : i32
      %sign3A_330 = arith.extui %sign3A_329 : i1 to i32
      %sign3A_331 = arith.constant 0 : i32
      %sign3A_332 = arith.cmpi slt, %add3A_304, %sign3A_331 : i32
      %sign3A_333 = arith.extui %sign3A_332 : i1 to i32
      %sign3A_334 = arith.subi %sign3A_330, %sign3A_333 : i32
      %sign3A_335 = arith.constant 0 : i32
      %sign3A_336 = arith.cmpi sgt, %jit3A_326, %sign3A_335 : i32
      %sign3A_337 = arith.extui %sign3A_336 : i1 to i32
      %sign3A_338 = arith.constant 0 : i32
      %sign3A_339 = arith.cmpi slt, %jit3A_326, %sign3A_338 : i32
      %sign3A_340 = arith.extui %sign3A_339 : i1 to i32
      %sign3A_341 = arith.subi %sign3A_337, %sign3A_340 : i32
      %ne3A_342 = arith.cmpi ne, %sign3A_334, %sign3A_341 : i32
      %rem3A_343 = arith.remsi %add3A_304, %jit3A_326 : i32
      %ne3A_344 = arith.constant 0 : i32
      %ne3A_345 = arith.cmpi ne, %rem3A_343, %ne3A_344 : i32
      %and3A_346 = arith.andi %ne3A_342, %ne3A_345 : i1
      %sub3A_347 = arith.constant 1 : i32
      %sub3A_348 = arith.subi %div3A_327, %sub3A_347 : i32
      %select_n3A_349 = arith.select %and3A_346, %sub3A_348, %div3A_327 : i32
      %mul3A_350 = arith.constant 16 : i32
      %mul3A_351 = arith.muli %select_n3A_349, %mul3A_350 : i32
      %get3A_352 = arith.index_cast %mul3A_351 : i32 to index
      %get3A_353 = tpu.vector_load %arg12[%get3A_352] {strides = array<i32>} : memref<128xf32, #tpu.memory_space<vmem>>, vector<16xf32>,
      %get3A_354 = vector.shape_cast %get3A_353 : vector<16xf32> to vector<16xf32>
      %add3A_355 = arith.addf %get3A_354, %scan3A_324 : vector<16xf32>
      %swap3A_356 = arith.index_cast %mul3A_351 : i32 to index
      %swap3A_357 = tpu.vector_load %arg12[%swap3A_356] {strides = array<i32>} : memref<128xf32, #tpu.memory_space<vmem>>, vector<16xf32>,
      %swap3A_358 = vector.shape_cast %swap3A_357 : vector<16xf32> to vector<16xf32>
      %swap3A_359 = vector.shape_cast %add3A_355 : vector<16xf32> to vector<16xf32>
      tpu.vector_store %arg12[%swap3A_356], %swap3A_359 {strides = array<i32>} : memref<128xf32, #tpu.memory_space<vmem>>, vector<16xf32>,
      %add3A_360 = arith.constant 3 : i32
      %add3A_361 = arith.addi %mul3A_199, %add3A_360 : i32
      %add3A_362 = arith.constant 4 : i32
      %add3A_363 = arith.addi %add3A_361, %add3A_362 : i32
      %sub3A_364 = arith.constant 1 : i32
      %sub3A_365 = arith.subi %add3A_363, %sub3A_364 : i32
      %lt3A_366 = arith.constant 32 : i32
      %lt3A_367 = arith.cmpi slt, %sub3A_365, %lt3A_366 : i32
      %convert_element_type3A_368 = arith.extui %lt3A_367 : i1 to i32
      %cond3A_369 = arith.constant 0 : i32
      %cond3A_370 = arith.cmpi ne, %convert_element_type3A_368, %cond3A_369 : i32
      scf.if %cond3A_370 {
        %add3A_417 = arith.constant 4 : i32
        %add3A_418 = arith.addi %add3A_361, %add3A_417 : i32
        %sub3A_419 = arith.constant 1 : i32
        %sub3A_420 = arith.subi %add3A_418, %sub3A_419 : i32
        %mul3A_421 = arith.constant 200 : i32
        %mul3A_422 = arith.muli %sub3A_420, %mul3A_421 : i32
        %dma_start3A_423 = tpu.memref_slice %arg6[%mul3A_422] : memref<6400xi32, #tpu.memory_space<vmem>> -> memref<200xi32, #tpu.memory_space<vmem>>
        %dma_start3A_424 = arith.constant 0 : i32
        %dma_start3A_425 = arith.constant 0 : i32
        %dma_start3A_426 = tpu.memref_slice %arg4[%dma_start3A_424, %dma_start3A_425] : memref<100000x128xf32, #tpu.memory_space<hbm>> -> memref<100000x128xf32, #tpu.memory_space<hbm>>
        tpu.enqueue_indirect_dma source(%dma_start3A_426 : memref<100000x128xf32, #tpu.memory_space<hbm>>) target(%arg9 : memref<200x128xf32, #tpu.memory_space<vmem>>) offsets(%dma_start3A_423 : memref<200xi32, #tpu.memory_space<vmem>>) semaphore(%arg15 : memref<!tpu.dma_semaphore, #tpu.memory_space<semaphore_mem>>)
      } else {
      }
      %dma_wait3A_371 = arith.constant 0 : i32
      %dma_wait3A_372 = arith.constant 0 : i32
      %dma_wait3A_373 = tpu.memref_slice %arg4[%dma_wait3A_371, %dma_wait3A_372] : memref<100000x128xf32, #tpu.memory_space<hbm>> -> memref<200x128xf32, #tpu.memory_space<hbm>>
      %dma_wait3A_374 = arith.constant 0 : i32
      %dma_wait3A_375 = arith.constant 0 : i32
      %dma_wait3A_376 = tpu.memref_slice %arg4[%dma_wait3A_374, %dma_wait3A_375] : memref<100000x128xf32, #tpu.memory_space<hbm>> -> memref<200x128xf32, #tpu.memory_space<hbm>>
      tpu.wait_dma2 semaphore(%arg16 : memref<!tpu.dma_semaphore, #tpu.memory_space<semaphore_mem>>) src(%dma_wait3A_376 : memref<200x128xf32, #tpu.memory_space<hbm>>) dst(%arg10 : memref<200x128xf32, #tpu.memory_space<vmem>>)
      %scan3A_377 = arith.constant 0 : i32
      %scan3A_378 = arith.constant 4 : i32
      %scan3A_379 = arith.addi %scan3A_377, %scan3A_378 : i32
      %scan3A_380 = arith.constant 1 : i32
      %scan3A_381 = scf.for %scan3A_417 = %scan3A_377 to %scan3A_379 step %scan3A_380 iter_args(%scan3A_418 = %broadcast_in_dim3A_1) -> (vector<16xf32>)  : i32 {
        %broadcast_in_dim3A_419 = arith.constant 0.000000e+00 : f32
        %broadcast_in_dim3A_420 = vector.broadcast %broadcast_in_dim3A_419 : f32 to vector<16xf32>
        %broadcast_in_dim3A_421 = arith.constant 0.000000e+00 : f32
        %broadcast_in_dim3A_422 = vector.broadcast %broadcast_in_dim3A_421 : f32 to vector<16xf32>
        %broadcast_in_dim3A_423 = arith.constant 0.000000e+00 : f32
        %broadcast_in_dim3A_424 = vector.broadcast %broadcast_in_dim3A_423 : f32 to vector<16xf32>
        %broadcast_in_dim3A_425 = arith.constant 0.000000e+00 : f32
        %broadcast_in_dim3A_426 = vector.broadcast %broadcast_in_dim3A_425 : f32 to vector<16xf32>
        %broadcast_in_dim3A_427 = arith.constant 0.000000e+00 : f32
        %broadcast_in_dim3A_428 = vector.broadcast %broadcast_in_dim3A_427 : f32 to vector<16xf32>
        %broadcast_in_dim3A_429 = arith.constant 0.000000e+00 : f32
        %broadcast_in_dim3A_430 = vector.broadcast %broadcast_in_dim3A_429 : f32 to vector<16xf32>
        %broadcast_in_dim3A_431 = arith.constant 0.000000e+00 : f32
        %broadcast_in_dim3A_432 = vector.broadcast %broadcast_in_dim3A_431 : f32 to vector<16xf32>
        %broadcast_in_dim3A_433 = arith.constant 0.000000e+00 : f32
        %broadcast_in_dim3A_434 = vector.broadcast %broadcast_in_dim3A_433 : f32 to vector<16xf32>
        %scan3A_435 = arith.constant 0 : i32
        %scan3A_436 = arith.constant 50 : i32
        %scan3A_437 = arith.addi %scan3A_435, %scan3A_436 : i32
        %scan3A_438 = arith.constant 2 : i32
        %scan3A_439:8 = scf.for %scan3A_635 = %scan3A_435 to %scan3A_437 step %scan3A_438 iter_args(%scan3A_636 = %broadcast_in_dim3A_420, %scan3A_637 = %broadcast_in_dim3A_422, %scan3A_638 = %broadcast_in_dim3A_424, %scan3A_639 = %broadcast_in_dim3A_426, %scan3A_640 = %broadcast_in_dim3A_428, %scan3A_641 = %broadcast_in_dim3A_430, %scan3A_642 = %broadcast_in_dim3A_432, %scan3A_643 = %broadcast_in_dim3A_434) -> (vector<16xf32>, vector<16xf32>, vector<16xf32>, vector<16xf32>, vector<16xf32>, vector<16xf32>, vector<16xf32>, vector<16xf32>)  : i32 {
          %mul3A_644 = arith.constant 50 : i32
          %mul3A_645 = arith.muli %scan3A_417, %mul3A_644 : i32
          %add3A_646 = arith.addi %mul3A_645, %scan3A_635 : i32
          %get3A_647 = arith.index_cast %add3A_646 : i32 to index
          %get3A_648 = arith.constant 0 : index
          %get3A_649 = tpu.vector_load %arg10[%get3A_647, %get3A_648] {strides = array<i32>} : memref<200x128xf32, #tpu.memory_space<vmem>>, vector<1x16xf32>,
          %get3A_650 = vector.shape_cast %get3A_649 : vector<1x16xf32> to vector<16xf32>
          %add3A_651 = arith.addf %scan3A_636, %get3A_650 : vector<16xf32>
          %get3A_652 = arith.index_cast %add3A_646 : i32 to index
          %get3A_653 = arith.constant 16 : index
          %get3A_654 = tpu.vector_load %arg10[%get3A_652, %get3A_653] {strides = array<i32>} : memref<200x128xf32, #tpu.memory_space<vmem>>, vector<1x16xf32>,
          %get3A_655 = vector.shape_cast %get3A_654 : vector<1x16xf32> to vector<16xf32>
          %add3A_656 = arith.addf %scan3A_637, %get3A_655 : vector<16xf32>
          %get3A_657 = arith.index_cast %add3A_646 : i32 to index
          %get3A_658 = arith.constant 32 : index
          %get3A_659 = tpu.vector_load %arg10[%get3A_657, %get3A_658] {strides = array<i32>} : memref<200x128xf32, #tpu.memory_space<vmem>>, vector<1x16xf32>,
          %get3A_660 = vector.shape_cast %get3A_659 : vector<1x16xf32> to vector<16xf32>
          %add3A_661 = arith.addf %scan3A_638, %get3A_660 : vector<16xf32>
          %get3A_662 = arith.index_cast %add3A_646 : i32 to index
          %get3A_663 = arith.constant 48 : index
          %get3A_664 = tpu.vector_load %arg10[%get3A_662, %get3A_663] {strides = array<i32>} : memref<200x128xf32, #tpu.memory_space<vmem>>, vector<1x16xf32>,
          %get3A_665 = vector.shape_cast %get3A_664 : vector<1x16xf32> to vector<16xf32>
          %add3A_666 = arith.addf %scan3A_639, %get3A_665 : vector<16xf32>
          %get3A_667 = arith.index_cast %add3A_646 : i32 to index
          %get3A_668 = arith.constant 64 : index
          %get3A_669 = tpu.vector_load %arg10[%get3A_667, %get3A_668] {strides = array<i32>} : memref<200x128xf32, #tpu.memory_space<vmem>>, vector<1x16xf32>,
          %get3A_670 = vector.shape_cast %get3A_669 : vector<1x16xf32> to vector<16xf32>
          %add3A_671 = arith.addf %scan3A_640, %get3A_670 : vector<16xf32>
          %get3A_672 = arith.index_cast %add3A_646 : i32 to index
          %get3A_673 = arith.constant 80 : index
          %get3A_674 = tpu.vector_load %arg10[%get3A_672, %get3A_673] {strides = array<i32>} : memref<200x128xf32, #tpu.memory_space<vmem>>, vector<1x16xf32>,
          %get3A_675 = vector.shape_cast %get3A_674 : vector<1x16xf32> to vector<16xf32>
          %add3A_676 = arith.addf %scan3A_641, %get3A_675 : vector<16xf32>
          %get3A_677 = arith.index_cast %add3A_646 : i32 to index
          %get3A_678 = arith.constant 96 : index
          %get3A_679 = tpu.vector_load %arg10[%get3A_677, %get3A_678] {strides = array<i32>} : memref<200x128xf32, #tpu.memory_space<vmem>>, vector<1x16xf32>,
          %get3A_680 = vector.shape_cast %get3A_679 : vector<1x16xf32> to vector<16xf32>
          %add3A_681 = arith.addf %scan3A_642, %get3A_680 : vector<16xf32>
          %get3A_682 = arith.index_cast %add3A_646 : i32 to index
          %get3A_683 = arith.constant 112 : index
          %get3A_684 = tpu.vector_load %arg10[%get3A_682, %get3A_683] {strides = array<i32>} : memref<200x128xf32, #tpu.memory_space<vmem>>, vector<1x16xf32>,
          %get3A_685 = vector.shape_cast %get3A_684 : vector<1x16xf32> to vector<16xf32>
          %add3A_686 = arith.addf %scan3A_643, %get3A_685 : vector<16xf32>
          %scan3A_687 = arith.constant 1 : i32
          %scan3A_688 = arith.addi %scan3A_635, %scan3A_687 : i32
          %mul3A_689 = arith.constant 50 : i32
          %mul3A_690 = arith.muli %scan3A_417, %mul3A_689 : i32
          %add3A_691 = arith.addi %mul3A_690, %scan3A_688 : i32
          %get3A_692 = arith.index_cast %add3A_691 : i32 to index
          %get3A_693 = arith.constant 0 : index
          %get3A_694 = tpu.vector_load %arg10[%get3A_692, %get3A_693] {strides = array<i32>} : memref<200x128xf32, #tpu.memory_space<vmem>>, vector<1x16xf32>,
          %get3A_695 = vector.shape_cast %get3A_694 : vector<1x16xf32> to vector<16xf32>
          %add3A_696 = arith.addf %add3A_651, %get3A_695 : vector<16xf32>
          %get3A_697 = arith.index_cast %add3A_691 : i32 to index
          %get3A_698 = arith.constant 16 : index
          %get3A_699 = tpu.vector_load %arg10[%get3A_697, %get3A_698] {strides = array<i32>} : memref<200x128xf32, #tpu.memory_space<vmem>>, vector<1x16xf32>,
          %get3A_700 = vector.shape_cast %get3A_699 : vector<1x16xf32> to vector<16xf32>
          %add3A_701 = arith.addf %add3A_656, %get3A_700 : vector<16xf32>
          %get3A_702 = arith.index_cast %add3A_691 : i32 to index
          %get3A_703 = arith.constant 32 : index
          %get3A_704 = tpu.vector_load %arg10[%get3A_702, %get3A_703] {strides = array<i32>} : memref<200x128xf32, #tpu.memory_space<vmem>>, vector<1x16xf32>,
          %get3A_705 = vector.shape_cast %get3A_704 : vector<1x16xf32> to vector<16xf32>
          %add3A_706 = arith.addf %add3A_661, %get3A_705 : vector<16xf32>
          %get3A_707 = arith.index_cast %add3A_691 : i32 to index
          %get3A_708 = arith.constant 48 : index
          %get3A_709 = tpu.vector_load %arg10[%get3A_707, %get3A_708] {strides = array<i32>} : memref<200x128xf32, #tpu.memory_space<vmem>>, vector<1x16xf32>,
          %get3A_710 = vector.shape_cast %get3A_709 : vector<1x16xf32> to vector<16xf32>
          %add3A_711 = arith.addf %add3A_666, %get3A_710 : vector<16xf32>
          %get3A_712 = arith.index_cast %add3A_691 : i32 to index
          %get3A_713 = arith.constant 64 : index
          %get3A_714 = tpu.vector_load %arg10[%get3A_712, %get3A_713] {strides = array<i32>} : memref<200x128xf32, #tpu.memory_space<vmem>>, vector<1x16xf32>,
          %get3A_715 = vector.shape_cast %get3A_714 : vector<1x16xf32> to vector<16xf32>
          %add3A_716 = arith.addf %add3A_671, %get3A_715 : vector<16xf32>
          %get3A_717 = arith.index_cast %add3A_691 : i32 to index
          %get3A_718 = arith.constant 80 : index
          %get3A_719 = tpu.vector_load %arg10[%get3A_717, %get3A_718] {strides = array<i32>} : memref<200x128xf32, #tpu.memory_space<vmem>>, vector<1x16xf32>,
          %get3A_720 = vector.shape_cast %get3A_719 : vector<1x16xf32> to vector<16xf32>
          %add3A_721 = arith.addf %add3A_676, %get3A_720 : vector<16xf32>
          %get3A_722 = arith.index_cast %add3A_691 : i32 to index
          %get3A_723 = arith.constant 96 : index
          %get3A_724 = tpu.vector_load %arg10[%get3A_722, %get3A_723] {strides = array<i32>} : memref<200x128xf32, #tpu.memory_space<vmem>>, vector<1x16xf32>,
          %get3A_725 = vector.shape_cast %get3A_724 : vector<1x16xf32> to vector<16xf32>
          %add3A_726 = arith.addf %add3A_681, %get3A_725 : vector<16xf32>
          %get3A_727 = arith.index_cast %add3A_691 : i32 to index
          %get3A_728 = arith.constant 112 : index
          %get3A_729 = tpu.vector_load %arg10[%get3A_727, %get3A_728] {strides = array<i32>} : memref<200x128xf32, #tpu.memory_space<vmem>>, vector<1x16xf32>,
          %get3A_730 = vector.shape_cast %get3A_729 : vector<1x16xf32> to vector<16xf32>
          %add3A_731 = arith.addf %add3A_686, %get3A_730 : vector<16xf32>
          scf.yield %add3A_696, %add3A_701, %add3A_706, %add3A_711, %add3A_716, %add3A_721, %add3A_726, %add3A_731 : vector<16xf32>, vector<16xf32>, vector<16xf32>, vector<16xf32>, vector<16xf32>, vector<16xf32>, vector<16xf32>, vector<16xf32>
        }
        %scan3A_440 = arith.constant 50 : i32
        %mul3A_441 = arith.constant 2.000000e-02 : f32
        %mul3A_442 = vector.broadcast %mul3A_441 : f32 to vector<16xf32>
        %mul3A_443 = arith.mulf %scan3A_439#0, %mul3A_442 : vector<16xf32>
        %neg3A_444 = arith.constant 0.000000e+00 : f32
        %neg3A_445 = vector.broadcast %neg3A_444 : f32 to vector<16xf32>
        %neg3A_446 = arith.subf %neg3A_445, %mul3A_443 : vector<16xf32>
        %exp3A_447 = math.exp %neg3A_446 : vector<16xf32>
        %add3A_448 = arith.constant 1.000000e+00 : f32
        %add3A_449 = vector.broadcast %add3A_448 : f32 to vector<16xf32>
        %add3A_450 = arith.addf %add3A_449, %exp3A_447 : vector<16xf32>
        %div3A_451 = arith.constant 1.000000e+00 : f32
        %div3A_452 = vector.broadcast %div3A_451 : f32 to vector<16xf32>
        %div3A_453 = arith.divf %div3A_452, %add3A_450 : vector<16xf32>
        %get3A_454 = arith.constant 0 : index
        %get3A_455 = tpu.vector_load %arg11[%get3A_454] {strides = array<i32>} : memref<144xf32, #tpu.memory_space<vmem>>, vector<16xf32>,
        %get3A_456 = vector.shape_cast %get3A_455 : vector<16xf32> to vector<16xf32>
        %mul3A_457 = arith.mulf %div3A_453, %get3A_456 : vector<16xf32>
        %add3A_458 = arith.addf %broadcast_in_dim3A_1, %mul3A_457 : vector<16xf32>
        %mul3A_459 = arith.constant 2.000000e-02 : f32
        %mul3A_460 = vector.broadcast %mul3A_459 : f32 to vector<16xf32>
        %mul3A_461 = arith.mulf %scan3A_439#1, %mul3A_460 : vector<16xf32>
        %neg3A_462 = arith.constant 0.000000e+00 : f32
        %neg3A_463 = vector.broadcast %neg3A_462 : f32 to vector<16xf32>
        %neg3A_464 = arith.subf %neg3A_463, %mul3A_461 : vector<16xf32>
        %exp3A_465 = math.exp %neg3A_464 : vector<16xf32>
        %add3A_466 = arith.constant 1.000000e+00 : f32
        %add3A_467 = vector.broadcast %add3A_466 : f32 to vector<16xf32>
        %add3A_468 = arith.addf %add3A_467, %exp3A_465 : vector<16xf32>
        %div3A_469 = arith.constant 1.000000e+00 : f32
        %div3A_470 = vector.broadcast %div3A_469 : f32 to vector<16xf32>
        %div3A_471 = arith.divf %div3A_470, %add3A_468 : vector<16xf32>
        %get3A_472 = arith.constant 16 : index
        %get3A_473 = tpu.vector_load %arg11[%get3A_472] {strides = array<i32>} : memref<144xf32, #tpu.memory_space<vmem>>, vector<16xf32>,
        %get3A_474 = vector.shape_cast %get3A_473 : vector<16xf32> to vector<16xf32>
        %mul3A_475 = arith.mulf %div3A_471, %get3A_474 : vector<16xf32>
        %add3A_476 = arith.addf %add3A_458, %mul3A_475 : vector<16xf32>
        %mul3A_477 = arith.constant 2.000000e-02 : f32
        %mul3A_478 = vector.broadcast %mul3A_477 : f32 to vector<16xf32>
        %mul3A_479 = arith.mulf %scan3A_439#2, %mul3A_478 : vector<16xf32>
        %neg3A_480 = arith.constant 0.000000e+00 : f32
        %neg3A_481 = vector.broadcast %neg3A_480 : f32 to vector<16xf32>
        %neg3A_482 = arith.subf %neg3A_481, %mul3A_479 : vector<16xf32>
        %exp3A_483 = math.exp %neg3A_482 : vector<16xf32>
        %add3A_484 = arith.constant 1.000000e+00 : f32
        %add3A_485 = vector.broadcast %add3A_484 : f32 to vector<16xf32>
        %add3A_486 = arith.addf %add3A_485, %exp3A_483 : vector<16xf32>
        %div3A_487 = arith.constant 1.000000e+00 : f32
        %div3A_488 = vector.broadcast %div3A_487 : f32 to vector<16xf32>
        %div3A_489 = arith.divf %div3A_488, %add3A_486 : vector<16xf32>
        %get3A_490 = arith.constant 32 : index
        %get3A_491 = tpu.vector_load %arg11[%get3A_490] {strides = array<i32>} : memref<144xf32, #tpu.memory_space<vmem>>, vector<16xf32>,
        %get3A_492 = vector.shape_cast %get3A_491 : vector<16xf32> to vector<16xf32>
        %mul3A_493 = arith.mulf %div3A_489, %get3A_492 : vector<16xf32>
        %add3A_494 = arith.addf %add3A_476, %mul3A_493 : vector<16xf32>
        %mul3A_495 = arith.constant 2.000000e-02 : f32
        %mul3A_496 = vector.broadcast %mul3A_495 : f32 to vector<16xf32>
        %mul3A_497 = arith.mulf %scan3A_439#3, %mul3A_496 : vector<16xf32>
        %neg3A_498 = arith.constant 0.000000e+00 : f32
        %neg3A_499 = vector.broadcast %neg3A_498 : f32 to vector<16xf32>
        %neg3A_500 = arith.subf %neg3A_499, %mul3A_497 : vector<16xf32>
        %exp3A_501 = math.exp %neg3A_500 : vector<16xf32>
        %add3A_502 = arith.constant 1.000000e+00 : f32
        %add3A_503 = vector.broadcast %add3A_502 : f32 to vector<16xf32>
        %add3A_504 = arith.addf %add3A_503, %exp3A_501 : vector<16xf32>
        %div3A_505 = arith.constant 1.000000e+00 : f32
        %div3A_506 = vector.broadcast %div3A_505 : f32 to vector<16xf32>
        %div3A_507 = arith.divf %div3A_506, %add3A_504 : vector<16xf32>
        %get3A_508 = arith.constant 48 : index
        %get3A_509 = tpu.vector_load %arg11[%get3A_508] {strides = array<i32>} : memref<144xf32, #tpu.memory_space<vmem>>, vector<16xf32>,
        %get3A_510 = vector.shape_cast %get3A_509 : vector<16xf32> to vector<16xf32>
        %mul3A_511 = arith.mulf %div3A_507, %get3A_510 : vector<16xf32>
        %add3A_512 = arith.addf %add3A_494, %mul3A_511 : vector<16xf32>
        %mul3A_513 = arith.constant 2.000000e-02 : f32
        %mul3A_514 = vector.broadcast %mul3A_513 : f32 to vector<16xf32>
        %mul3A_515 = arith.mulf %scan3A_439#4, %mul3A_514 : vector<16xf32>
        %neg3A_516 = arith.constant 0.000000e+00 : f32
        %neg3A_517 = vector.broadcast %neg3A_516 : f32 to vector<16xf32>
        %neg3A_518 = arith.subf %neg3A_517, %mul3A_515 : vector<16xf32>
        %exp3A_519 = math.exp %neg3A_518 : vector<16xf32>
        %add3A_520 = arith.constant 1.000000e+00 : f32
        %add3A_521 = vector.broadcast %add3A_520 : f32 to vector<16xf32>
        %add3A_522 = arith.addf %add3A_521, %exp3A_519 : vector<16xf32>
        %div3A_523 = arith.constant 1.000000e+00 : f32
        %div3A_524 = vector.broadcast %div3A_523 : f32 to vector<16xf32>
        %div3A_525 = arith.divf %div3A_524, %add3A_522 : vector<16xf32>
        %get3A_526 = arith.constant 64 : index
        %get3A_527 = tpu.vector_load %arg11[%get3A_526] {strides = array<i32>} : memref<144xf32, #tpu.memory_space<vmem>>, vector<16xf32>,
        %get3A_528 = vector.shape_cast %get3A_527 : vector<16xf32> to vector<16xf32>
        %mul3A_529 = arith.mulf %div3A_525, %get3A_528 : vector<16xf32>
        %add3A_530 = arith.addf %add3A_512, %mul3A_529 : vector<16xf32>
        %mul3A_531 = arith.constant 2.000000e-02 : f32
        %mul3A_532 = vector.broadcast %mul3A_531 : f32 to vector<16xf32>
        %mul3A_533 = arith.mulf %scan3A_439#5, %mul3A_532 : vector<16xf32>
        %neg3A_534 = arith.constant 0.000000e+00 : f32
        %neg3A_535 = vector.broadcast %neg3A_534 : f32 to vector<16xf32>
        %neg3A_536 = arith.subf %neg3A_535, %mul3A_533 : vector<16xf32>
        %exp3A_537 = math.exp %neg3A_536 : vector<16xf32>
        %add3A_538 = arith.constant 1.000000e+00 : f32
        %add3A_539 = vector.broadcast %add3A_538 : f32 to vector<16xf32>
        %add3A_540 = arith.addf %add3A_539, %exp3A_537 : vector<16xf32>
        %div3A_541 = arith.constant 1.000000e+00 : f32
        %div3A_542 = vector.broadcast %div3A_541 : f32 to vector<16xf32>
        %div3A_543 = arith.divf %div3A_542, %add3A_540 : vector<16xf32>
        %get3A_544 = arith.constant 80 : index
        %get3A_545 = tpu.vector_load %arg11[%get3A_544] {strides = array<i32>} : memref<144xf32, #tpu.memory_space<vmem>>, vector<16xf32>,
        %get3A_546 = vector.shape_cast %get3A_545 : vector<16xf32> to vector<16xf32>
        %mul3A_547 = arith.mulf %div3A_543, %get3A_546 : vector<16xf32>
        %add3A_548 = arith.addf %add3A_530, %mul3A_547 : vector<16xf32>
        %mul3A_549 = arith.constant 2.000000e-02 : f32
        %mul3A_550 = vector.broadcast %mul3A_549 : f32 to vector<16xf32>
        %mul3A_551 = arith.mulf %scan3A_439#6, %mul3A_550 : vector<16xf32>
        %neg3A_552 = arith.constant 0.000000e+00 : f32
        %neg3A_553 = vector.broadcast %neg3A_552 : f32 to vector<16xf32>
        %neg3A_554 = arith.subf %neg3A_553, %mul3A_551 : vector<16xf32>
        %exp3A_555 = math.exp %neg3A_554 : vector<16xf32>
        %add3A_556 = arith.constant 1.000000e+00 : f32
        %add3A_557 = vector.broadcast %add3A_556 : f32 to vector<16xf32>
        %add3A_558 = arith.addf %add3A_557, %exp3A_555 : vector<16xf32>
        %div3A_559 = arith.constant 1.000000e+00 : f32
        %div3A_560 = vector.broadcast %div3A_559 : f32 to vector<16xf32>
        %div3A_561 = arith.divf %div3A_560, %add3A_558 : vector<16xf32>
        %get3A_562 = arith.constant 96 : index
        %get3A_563 = tpu.vector_load %arg11[%get3A_562] {strides = array<i32>} : memref<144xf32, #tpu.memory_space<vmem>>, vector<16xf32>,
        %get3A_564 = vector.shape_cast %get3A_563 : vector<16xf32> to vector<16xf32>
        %mul3A_565 = arith.mulf %div3A_561, %get3A_564 : vector<16xf32>
        %add3A_566 = arith.addf %add3A_548, %mul3A_565 : vector<16xf32>
        %mul3A_567 = arith.constant 2.000000e-02 : f32
        %mul3A_568 = vector.broadcast %mul3A_567 : f32 to vector<16xf32>
        %mul3A_569 = arith.mulf %scan3A_439#7, %mul3A_568 : vector<16xf32>
        %neg3A_570 = arith.constant 0.000000e+00 : f32
        %neg3A_571 = vector.broadcast %neg3A_570 : f32 to vector<16xf32>
        %neg3A_572 = arith.subf %neg3A_571, %mul3A_569 : vector<16xf32>
        %exp3A_573 = math.exp %neg3A_572 : vector<16xf32>
        %add3A_574 = arith.constant 1.000000e+00 : f32
        %add3A_575 = vector.broadcast %add3A_574 : f32 to vector<16xf32>
        %add3A_576 = arith.addf %add3A_575, %exp3A_573 : vector<16xf32>
        %div3A_577 = arith.constant 1.000000e+00 : f32
        %div3A_578 = vector.broadcast %div3A_577 : f32 to vector<16xf32>
        %div3A_579 = arith.divf %div3A_578, %add3A_576 : vector<16xf32>
        %get3A_580 = arith.constant 112 : index
        %get3A_581 = tpu.vector_load %arg11[%get3A_580] {strides = array<i32>} : memref<144xf32, #tpu.memory_space<vmem>>, vector<16xf32>,
        %get3A_582 = vector.shape_cast %get3A_581 : vector<16xf32> to vector<16xf32>
        %mul3A_583 = arith.mulf %div3A_579, %get3A_582 : vector<16xf32>
        %add3A_584 = arith.addf %add3A_566, %mul3A_583 : vector<16xf32>
        %iota3A_585 = tpu.iota {dimensions = array<i32: 0>} : vector<16xi32>
        %xor3A = arith.constant 1 : i32
        %xor3A_586 = vector.broadcast %xor3A : i32 to vector<16xi32>
        %xor3A_587 = arith.xori %iota3A_585, %xor3A_586 : vector<16xi32>
        %reshape3A = vector.shape_cast %xor3A_587 : vector<16xi32> to vector<16x1xi32>
        %gather3A = vector.shape_cast %reshape3A : vector<16x1xi32> to vector<16xi32>
        %gather3A_588 = tpu.dynamic_gather %add3A_584[%gather3A] in [0] : vector<16xf32>, vector<16xi32> -> vector<16xf32>
        %add3A_589 = arith.addf %add3A_584, %gather3A_588 : vector<16xf32>
        %iota3A_590 = tpu.iota {dimensions = array<i32: 0>} : vector<16xi32>
        %xor3A_591 = arith.constant 2 : i32
        %xor3A_592 = vector.broadcast %xor3A_591 : i32 to vector<16xi32>
        %xor3A_593 = arith.xori %iota3A_590, %xor3A_592 : vector<16xi32>
        %reshape3A_594 = vector.shape_cast %xor3A_593 : vector<16xi32> to vector<16x1xi32>
        %gather3A_595 = vector.shape_cast %reshape3A_594 : vector<16x1xi32> to vector<16xi32>
        %gather3A_596 = tpu.dynamic_gather %add3A_589[%gather3A_595] in [0] : vector<16xf32>, vector<16xi32> -> vector<16xf32>
        %add3A_597 = arith.addf %add3A_589, %gather3A_596 : vector<16xf32>
        %iota3A_598 = tpu.iota {dimensions = array<i32: 0>} : vector<16xi32>
        %xor3A_599 = arith.constant 4 : i32
        %xor3A_600 = vector.broadcast %xor3A_599 : i32 to vector<16xi32>
        %xor3A_601 = arith.xori %iota3A_598, %xor3A_600 : vector<16xi32>
        %reshape3A_602 = vector.shape_cast %xor3A_601 : vector<16xi32> to vector<16x1xi32>
        %gather3A_603 = vector.shape_cast %reshape3A_602 : vector<16x1xi32> to vector<16xi32>
        %gather3A_604 = tpu.dynamic_gather %add3A_597[%gather3A_603] in [0] : vector<16xf32>, vector<16xi32> -> vector<16xf32>
        %add3A_605 = arith.addf %add3A_597, %gather3A_604 : vector<16xf32>
        %iota3A_606 = tpu.iota {dimensions = array<i32: 0>} : vector<16xi32>
        %xor3A_607 = arith.constant 8 : i32
        %xor3A_608 = vector.broadcast %xor3A_607 : i32 to vector<16xi32>
        %xor3A_609 = arith.xori %iota3A_606, %xor3A_608 : vector<16xi32>
        %reshape3A_610 = vector.shape_cast %xor3A_609 : vector<16xi32> to vector<16x1xi32>
        %gather3A_611 = vector.shape_cast %reshape3A_610 : vector<16x1xi32> to vector<16xi32>
        %gather3A_612 = tpu.dynamic_gather %add3A_605[%gather3A_611] in [0] : vector<16xf32>, vector<16xi32> -> vector<16xf32>
        %add3A_613 = arith.addf %add3A_605, %gather3A_612 : vector<16xf32>
        %jit3A_614 = arith.constant 4 : i32
        %eq3A = arith.constant 0 : i32
        %eq3A_615 = arith.cmpi eq, %jit3A_614, %eq3A : i32
        %jit3A_616 = arith.constant 1 : i32
        %select_n3A_617 = arith.select %eq3A_615, %jit3A_616, %jit3A_614 : i32
        %rem3A_618 = arith.remsi %add3A_361, %select_n3A_617 : i32
        %ne3A_619 = arith.constant 0 : i32
        %ne3A_620 = arith.cmpi ne, %rem3A_618, %ne3A_619 : i32
        %lt3A_621 = arith.constant 0 : i32
        %lt3A_622 = arith.cmpi slt, %rem3A_618, %lt3A_621 : i32
        %lt3A_623 = arith.constant 0 : i32
        %lt3A_624 = arith.cmpi slt, %select_n3A_617, %lt3A_623 : i32
        %ne3A_625 = arith.xori %lt3A_622, %lt3A_624 : i1
        %and3A_626 = arith.andi %ne3A_625, %ne3A_620 : i1
        %add3A_627 = arith.addi %rem3A_618, %select_n3A_617 : i32
        %select_n3A_628 = arith.select %and3A_626, %add3A_627, %rem3A_618 : i32
        %mul3A_629 = arith.constant 4 : i32
        %mul3A_630 = arith.muli %select_n3A_628, %mul3A_629 : i32
        %add3A_631 = arith.addi %mul3A_630, %scan3A_417 : i32
        %eq3A_632 = vector.broadcast %add3A_631 : i32 to vector<16xi32>
        %eq3A_633 = arith.cmpi eq, %iota3A, %eq3A_632 : vector<16xi32>
        %select_n3A_634 = arith.select %eq3A_633, %add3A_613, %scan3A_418 : vector<16xi1>, vector<16xf32>
        scf.yield %select_n3A_634 : vector<16xf32>
      }
      %scan3A_382 = arith.constant 4 : i32
      %jit3A_383 = arith.constant 4 : i32
      %div3A_384 = arith.divsi %add3A_361, %jit3A_383 : i32
      %sign3A_385 = arith.constant 0 : i32
      %sign3A_386 = arith.cmpi sgt, %add3A_361, %sign3A_385 : i32
      %sign3A_387 = arith.extui %sign3A_386 : i1 to i32
      %sign3A_388 = arith.constant 0 : i32
      %sign3A_389 = arith.cmpi slt, %add3A_361, %sign3A_388 : i32
      %sign3A_390 = arith.extui %sign3A_389 : i1 to i32
      %sign3A_391 = arith.subi %sign3A_387, %sign3A_390 : i32
      %sign3A_392 = arith.constant 0 : i32
      %sign3A_393 = arith.cmpi sgt, %jit3A_383, %sign3A_392 : i32
      %sign3A_394 = arith.extui %sign3A_393 : i1 to i32
      %sign3A_395 = arith.constant 0 : i32
      %sign3A_396 = arith.cmpi slt, %jit3A_383, %sign3A_395 : i32
      %sign3A_397 = arith.extui %sign3A_396 : i1 to i32
      %sign3A_398 = arith.subi %sign3A_394, %sign3A_397 : i32
      %ne3A_399 = arith.cmpi ne, %sign3A_391, %sign3A_398 : i32
      %rem3A_400 = arith.remsi %add3A_361, %jit3A_383 : i32
      %ne3A_401 = arith.constant 0 : i32
      %ne3A_402 = arith.cmpi ne, %rem3A_400, %ne3A_401 : i32
      %and3A_403 = arith.andi %ne3A_399, %ne3A_402 : i1
      %sub3A_404 = arith.constant 1 : i32
      %sub3A_405 = arith.subi %div3A_384, %sub3A_404 : i32
      %select_n3A_406 = arith.select %and3A_403, %sub3A_405, %div3A_384 : i32
      %mul3A_407 = arith.constant 16 : i32
      %mul3A_408 = arith.muli %select_n3A_406, %mul3A_407 : i32
      %get3A_409 = arith.index_cast %mul3A_408 : i32 to index
      %get3A_410 = tpu.vector_load %arg12[%get3A_409] {strides = array<i32>} : memref<128xf32, #tpu.memory_space<vmem>>, vector<16xf32>,
      %get3A_411 = vector.shape_cast %get3A_410 : vector<16xf32> to vector<16xf32>
      %add3A_412 = arith.addf %get3A_411, %scan3A_381 : vector<16xf32>
      %swap3A_413 = arith.index_cast %mul3A_408 : i32 to index
      %swap3A_414 = tpu.vector_load %arg12[%swap3A_413] {strides = array<i32>} : memref<128xf32, #tpu.memory_space<vmem>>, vector<16xf32>,
      %swap3A_415 = vector.shape_cast %swap3A_414 : vector<16xf32> to vector<16xf32>
      %swap3A_416 = vector.shape_cast %add3A_412 : vector<16xf32> to vector<16xf32>
      tpu.vector_store %arg12[%swap3A_413], %swap3A_416 {strides = array<i32>} : memref<128xf32, #tpu.memory_space<vmem>>, vector<16xf32>,
    }
    %scan3A_51 = arith.constant 8 : i32
    %get3A = arith.constant 128 : index
    %get3A_52 = tpu.vector_load %arg11[%get3A] {strides = array<i32>} : memref<144xf32, #tpu.memory_space<vmem>>, vector<16xf32>,
    %get3A_53 = vector.shape_cast %get3A_52 : vector<16xf32> to vector<16xf32>
    %get3A_54 = arith.constant 0 : index
    %get3A_55 = tpu.vector_load %arg12[%get3A_54] {strides = array<i32>} : memref<128xf32, #tpu.memory_space<vmem>>, vector<16xf32>,
    %get3A_56 = vector.shape_cast %get3A_55 : vector<16xf32> to vector<16xf32>
    %add3A_57 = arith.addf %get3A_56, %get3A_53 : vector<16xf32>
    %neg3A = arith.constant 0.000000e+00 : f32
    %neg3A_58 = vector.broadcast %neg3A : f32 to vector<16xf32>
    %neg3A_59 = arith.subf %neg3A_58, %add3A_57 : vector<16xf32>
    %exp3A = math.exp %neg3A_59 : vector<16xf32>
    %add3A_60 = arith.constant 1.000000e+00 : f32
    %add3A_61 = vector.broadcast %add3A_60 : f32 to vector<16xf32>
    %add3A_62 = arith.addf %add3A_61, %exp3A : vector<16xf32>
    %div3A = arith.constant 1.000000e+00 : f32
    %div3A_63 = vector.broadcast %div3A : f32 to vector<16xf32>
    %div3A_64 = arith.divf %div3A_63, %add3A_62 : vector<16xf32>
    %swap3A_65 = arith.constant 0 : index
    %swap3A_66 = tpu.vector_load %arg12[%swap3A_65] {strides = array<i32>} : memref<128xf32, #tpu.memory_space<vmem>>, vector<16xf32>,
    %swap3A_67 = vector.shape_cast %swap3A_66 : vector<16xf32> to vector<16xf32>
    %swap3A_68 = vector.shape_cast %div3A_64 : vector<16xf32> to vector<16xf32>
    tpu.vector_store %arg12[%swap3A_65], %swap3A_68 {strides = array<i32>} : memref<128xf32, #tpu.memory_space<vmem>>, vector<16xf32>,
    %get3A_69 = arith.constant 16 : index
    %get3A_70 = tpu.vector_load %arg12[%get3A_69] {strides = array<i32>} : memref<128xf32, #tpu.memory_space<vmem>>, vector<16xf32>,
    %get3A_71 = vector.shape_cast %get3A_70 : vector<16xf32> to vector<16xf32>
    %add3A_72 = arith.addf %get3A_71, %get3A_53 : vector<16xf32>
    %neg3A_73 = arith.constant 0.000000e+00 : f32
    %neg3A_74 = vector.broadcast %neg3A_73 : f32 to vector<16xf32>
    %neg3A_75 = arith.subf %neg3A_74, %add3A_72 : vector<16xf32>
    %exp3A_76 = math.exp %neg3A_75 : vector<16xf32>
    %add3A_77 = arith.constant 1.000000e+00 : f32
    %add3A_78 = vector.broadcast %add3A_77 : f32 to vector<16xf32>
    %add3A_79 = arith.addf %add3A_78, %exp3A_76 : vector<16xf32>
    %div3A_80 = arith.constant 1.000000e+00 : f32
    %div3A_81 = vector.broadcast %div3A_80 : f32 to vector<16xf32>
    %div3A_82 = arith.divf %div3A_81, %add3A_79 : vector<16xf32>
    %swap3A_83 = arith.constant 16 : index
    %swap3A_84 = tpu.vector_load %arg12[%swap3A_83] {strides = array<i32>} : memref<128xf32, #tpu.memory_space<vmem>>, vector<16xf32>,
    %swap3A_85 = vector.shape_cast %swap3A_84 : vector<16xf32> to vector<16xf32>
    %swap3A_86 = vector.shape_cast %div3A_82 : vector<16xf32> to vector<16xf32>
    tpu.vector_store %arg12[%swap3A_83], %swap3A_86 {strides = array<i32>} : memref<128xf32, #tpu.memory_space<vmem>>, vector<16xf32>,
    %get3A_87 = arith.constant 32 : index
    %get3A_88 = tpu.vector_load %arg12[%get3A_87] {strides = array<i32>} : memref<128xf32, #tpu.memory_space<vmem>>, vector<16xf32>,
    %get3A_89 = vector.shape_cast %get3A_88 : vector<16xf32> to vector<16xf32>
    %add3A_90 = arith.addf %get3A_89, %get3A_53 : vector<16xf32>
    %neg3A_91 = arith.constant 0.000000e+00 : f32
    %neg3A_92 = vector.broadcast %neg3A_91 : f32 to vector<16xf32>
    %neg3A_93 = arith.subf %neg3A_92, %add3A_90 : vector<16xf32>
    %exp3A_94 = math.exp %neg3A_93 : vector<16xf32>
    %add3A_95 = arith.constant 1.000000e+00 : f32
    %add3A_96 = vector.broadcast %add3A_95 : f32 to vector<16xf32>
    %add3A_97 = arith.addf %add3A_96, %exp3A_94 : vector<16xf32>
    %div3A_98 = arith.constant 1.000000e+00 : f32
    %div3A_99 = vector.broadcast %div3A_98 : f32 to vector<16xf32>
    %div3A_100 = arith.divf %div3A_99, %add3A_97 : vector<16xf32>
    %swap3A_101 = arith.constant 32 : index
    %swap3A_102 = tpu.vector_load %arg12[%swap3A_101] {strides = array<i32>} : memref<128xf32, #tpu.memory_space<vmem>>, vector<16xf32>,
    %swap3A_103 = vector.shape_cast %swap3A_102 : vector<16xf32> to vector<16xf32>
    %swap3A_104 = vector.shape_cast %div3A_100 : vector<16xf32> to vector<16xf32>
    tpu.vector_store %arg12[%swap3A_101], %swap3A_104 {strides = array<i32>} : memref<128xf32, #tpu.memory_space<vmem>>, vector<16xf32>,
    %get3A_105 = arith.constant 48 : index
    %get3A_106 = tpu.vector_load %arg12[%get3A_105] {strides = array<i32>} : memref<128xf32, #tpu.memory_space<vmem>>, vector<16xf32>,
    %get3A_107 = vector.shape_cast %get3A_106 : vector<16xf32> to vector<16xf32>
    %add3A_108 = arith.addf %get3A_107, %get3A_53 : vector<16xf32>
    %neg3A_109 = arith.constant 0.000000e+00 : f32
    %neg3A_110 = vector.broadcast %neg3A_109 : f32 to vector<16xf32>
    %neg3A_111 = arith.subf %neg3A_110, %add3A_108 : vector<16xf32>
    %exp3A_112 = math.exp %neg3A_111 : vector<16xf32>
    %add3A_113 = arith.constant 1.000000e+00 : f32
    %add3A_114 = vector.broadcast %add3A_113 : f32 to vector<16xf32>
    %add3A_115 = arith.addf %add3A_114, %exp3A_112 : vector<16xf32>
    %div3A_116 = arith.constant 1.000000e+00 : f32
    %div3A_117 = vector.broadcast %div3A_116 : f32 to vector<16xf32>
    %div3A_118 = arith.divf %div3A_117, %add3A_115 : vector<16xf32>
    %swap3A_119 = arith.constant 48 : index
    %swap3A_120 = tpu.vector_load %arg12[%swap3A_119] {strides = array<i32>} : memref<128xf32, #tpu.memory_space<vmem>>, vector<16xf32>,
    %swap3A_121 = vector.shape_cast %swap3A_120 : vector<16xf32> to vector<16xf32>
    %swap3A_122 = vector.shape_cast %div3A_118 : vector<16xf32> to vector<16xf32>
    tpu.vector_store %arg12[%swap3A_119], %swap3A_122 {strides = array<i32>} : memref<128xf32, #tpu.memory_space<vmem>>, vector<16xf32>,
    %get3A_123 = arith.constant 64 : index
    %get3A_124 = tpu.vector_load %arg12[%get3A_123] {strides = array<i32>} : memref<128xf32, #tpu.memory_space<vmem>>, vector<16xf32>,
    %get3A_125 = vector.shape_cast %get3A_124 : vector<16xf32> to vector<16xf32>
    %add3A_126 = arith.addf %get3A_125, %get3A_53 : vector<16xf32>
    %neg3A_127 = arith.constant 0.000000e+00 : f32
    %neg3A_128 = vector.broadcast %neg3A_127 : f32 to vector<16xf32>
    %neg3A_129 = arith.subf %neg3A_128, %add3A_126 : vector<16xf32>
    %exp3A_130 = math.exp %neg3A_129 : vector<16xf32>
    %add3A_131 = arith.constant 1.000000e+00 : f32
    %add3A_132 = vector.broadcast %add3A_131 : f32 to vector<16xf32>
    %add3A_133 = arith.addf %add3A_132, %exp3A_130 : vector<16xf32>
    %div3A_134 = arith.constant 1.000000e+00 : f32
    %div3A_135 = vector.broadcast %div3A_134 : f32 to vector<16xf32>
    %div3A_136 = arith.divf %div3A_135, %add3A_133 : vector<16xf32>
    %swap3A_137 = arith.constant 64 : index
    %swap3A_138 = tpu.vector_load %arg12[%swap3A_137] {strides = array<i32>} : memref<128xf32, #tpu.memory_space<vmem>>, vector<16xf32>,
    %swap3A_139 = vector.shape_cast %swap3A_138 : vector<16xf32> to vector<16xf32>
    %swap3A_140 = vector.shape_cast %div3A_136 : vector<16xf32> to vector<16xf32>
    tpu.vector_store %arg12[%swap3A_137], %swap3A_140 {strides = array<i32>} : memref<128xf32, #tpu.memory_space<vmem>>, vector<16xf32>,
    %get3A_141 = arith.constant 80 : index
    %get3A_142 = tpu.vector_load %arg12[%get3A_141] {strides = array<i32>} : memref<128xf32, #tpu.memory_space<vmem>>, vector<16xf32>,
    %get3A_143 = vector.shape_cast %get3A_142 : vector<16xf32> to vector<16xf32>
    %add3A_144 = arith.addf %get3A_143, %get3A_53 : vector<16xf32>
    %neg3A_145 = arith.constant 0.000000e+00 : f32
    %neg3A_146 = vector.broadcast %neg3A_145 : f32 to vector<16xf32>
    %neg3A_147 = arith.subf %neg3A_146, %add3A_144 : vector<16xf32>
    %exp3A_148 = math.exp %neg3A_147 : vector<16xf32>
    %add3A_149 = arith.constant 1.000000e+00 : f32
    %add3A_150 = vector.broadcast %add3A_149 : f32 to vector<16xf32>
    %add3A_151 = arith.addf %add3A_150, %exp3A_148 : vector<16xf32>
    %div3A_152 = arith.constant 1.000000e+00 : f32
    %div3A_153 = vector.broadcast %div3A_152 : f32 to vector<16xf32>
    %div3A_154 = arith.divf %div3A_153, %add3A_151 : vector<16xf32>
    %swap3A_155 = arith.constant 80 : index
    %swap3A_156 = tpu.vector_load %arg12[%swap3A_155] {strides = array<i32>} : memref<128xf32, #tpu.memory_space<vmem>>, vector<16xf32>,
    %swap3A_157 = vector.shape_cast %swap3A_156 : vector<16xf32> to vector<16xf32>
    %swap3A_158 = vector.shape_cast %div3A_154 : vector<16xf32> to vector<16xf32>
    tpu.vector_store %arg12[%swap3A_155], %swap3A_158 {strides = array<i32>} : memref<128xf32, #tpu.memory_space<vmem>>, vector<16xf32>,
    %get3A_159 = arith.constant 96 : index
    %get3A_160 = tpu.vector_load %arg12[%get3A_159] {strides = array<i32>} : memref<128xf32, #tpu.memory_space<vmem>>, vector<16xf32>,
    %get3A_161 = vector.shape_cast %get3A_160 : vector<16xf32> to vector<16xf32>
    %add3A_162 = arith.addf %get3A_161, %get3A_53 : vector<16xf32>
    %neg3A_163 = arith.constant 0.000000e+00 : f32
    %neg3A_164 = vector.broadcast %neg3A_163 : f32 to vector<16xf32>
    %neg3A_165 = arith.subf %neg3A_164, %add3A_162 : vector<16xf32>
    %exp3A_166 = math.exp %neg3A_165 : vector<16xf32>
    %add3A_167 = arith.constant 1.000000e+00 : f32
    %add3A_168 = vector.broadcast %add3A_167 : f32 to vector<16xf32>
    %add3A_169 = arith.addf %add3A_168, %exp3A_166 : vector<16xf32>
    %div3A_170 = arith.constant 1.000000e+00 : f32
    %div3A_171 = vector.broadcast %div3A_170 : f32 to vector<16xf32>
    %div3A_172 = arith.divf %div3A_171, %add3A_169 : vector<16xf32>
    %swap3A_173 = arith.constant 96 : index
    %swap3A_174 = tpu.vector_load %arg12[%swap3A_173] {strides = array<i32>} : memref<128xf32, #tpu.memory_space<vmem>>, vector<16xf32>,
    %swap3A_175 = vector.shape_cast %swap3A_174 : vector<16xf32> to vector<16xf32>
    %swap3A_176 = vector.shape_cast %div3A_172 : vector<16xf32> to vector<16xf32>
    tpu.vector_store %arg12[%swap3A_173], %swap3A_176 {strides = array<i32>} : memref<128xf32, #tpu.memory_space<vmem>>, vector<16xf32>,
    %get3A_177 = arith.constant 112 : index
    %get3A_178 = tpu.vector_load %arg12[%get3A_177] {strides = array<i32>} : memref<128xf32, #tpu.memory_space<vmem>>, vector<16xf32>,
    %get3A_179 = vector.shape_cast %get3A_178 : vector<16xf32> to vector<16xf32>
    %add3A_180 = arith.addf %get3A_179, %get3A_53 : vector<16xf32>
    %neg3A_181 = arith.constant 0.000000e+00 : f32
    %neg3A_182 = vector.broadcast %neg3A_181 : f32 to vector<16xf32>
    %neg3A_183 = arith.subf %neg3A_182, %add3A_180 : vector<16xf32>
    %exp3A_184 = math.exp %neg3A_183 : vector<16xf32>
    %add3A_185 = arith.constant 1.000000e+00 : f32
    %add3A_186 = vector.broadcast %add3A_185 : f32 to vector<16xf32>
    %add3A_187 = arith.addf %add3A_186, %exp3A_184 : vector<16xf32>
    %div3A_188 = arith.constant 1.000000e+00 : f32
    %div3A_189 = vector.broadcast %div3A_188 : f32 to vector<16xf32>
    %div3A_190 = arith.divf %div3A_189, %add3A_187 : vector<16xf32>
    %swap3A_191 = arith.constant 112 : index
    %swap3A_192 = tpu.vector_load %arg12[%swap3A_191] {strides = array<i32>} : memref<128xf32, #tpu.memory_space<vmem>>, vector<16xf32>,
    %swap3A_193 = vector.shape_cast %swap3A_192 : vector<16xf32> to vector<16xf32>
    %swap3A_194 = vector.shape_cast %div3A_190 : vector<16xf32> to vector<16xf32>
    tpu.vector_store %arg12[%swap3A_191], %swap3A_194 {strides = array<i32>} : memref<128xf32, #tpu.memory_space<vmem>>, vector<16xf32>,
    %mul3A_195 = arith.constant 128 : i32
    %mul3A_196 = arith.muli %add3A, %mul3A_195 : i32
    "tpu.region"() ({
      %run_scoped3A = tpu.sem_alloc : memref<!tpu.dma_semaphore, #tpu.memory_space<semaphore_mem>>
      %dma_start3A_197 = tpu.memref_slice %arg5[%mul3A_196] : memref<4096xf32, #tpu.memory_space<hbm>> -> memref<128xf32, #tpu.memory_space<hbm>>
      %dma_start3A_198 = tpu.memref_slice %arg5[%mul3A_196] : memref<4096xf32, #tpu.memory_space<hbm>> -> memref<128xf32, #tpu.memory_space<hbm>>
      tpu.enqueue_dma source(%arg12 : memref<128xf32, #tpu.memory_space<vmem>>) target(%dma_start3A_198 : memref<128xf32, #tpu.memory_space<hbm>>) target_semaphore(%run_scoped3A : memref<!tpu.dma_semaphore, #tpu.memory_space<semaphore_mem>>)
      %dma_wait3A = tpu.memref_slice %arg5[%mul3A_196] : memref<4096xf32, #tpu.memory_space<hbm>> -> memref<128xf32, #tpu.memory_space<hbm>>
      %dma_wait3A_199 = tpu.memref_slice %arg5[%mul3A_196] : memref<4096xf32, #tpu.memory_space<hbm>> -> memref<128xf32, #tpu.memory_space<hbm>>
      tpu.wait_dma2 semaphore(%run_scoped3A : memref<!tpu.dma_semaphore, #tpu.memory_space<semaphore_mem>>) src(%arg12 : memref<128xf32, #tpu.memory_space<vmem>>) dst(%dma_wait3A_199 : memref<128xf32, #tpu.memory_space<hbm>>)
      tpu.yield
    }) : () -> ()
    return
  }
}

</mosaic_0001>

<sc_bundles>
// kernel: kernel.3.cloned.1.call-start
scs
__scs_entry_jumppad:
0x0: {  	(pc) =	sbr.rel $0x88, $3  }
0x1: {  	(tag) =	ssettag $0x0;
	lr =	simm.s32 $0x1  }
0x2: {  	[smem:$0x3F9D] =	sst lr;
	_ =	strace $0xD0000000  }
0x3: {  	_ = 	snop  }
0x4: {  	_ = 	snop  }
0x5: {  	_ = 	snop  }
0x6: {  	_ = 	snop  }
0x7: {  	_ = 	snop  }
__scs_overlays_trampoline_lowered:
0x8: {  	[smem:$0x3FAC] =	sst s0  }
0x9: {  	[smem:$0x3FAD] =	sst s1  }
0xa: {  	[smem:$0x3FAE] =	sst s2  }
0xb: {  	[smem:$0x3FAF] =	sst s3  }
0xc: {  	[smem:$0x3FB0] =	sst s4  }
0xd: {  	[smem:$0x3FB1] =	sst s5  }
0xe: {  	[smem:$0x3FB2] =	sst s6  }
0xf: {  	[smem:$0x3FB3] =	sst s7  }
0x10: {  	[smem:$0x3FB4] =	sst s8  }
0x11: {  	[smem:$0x3FB5] =	sst s9;
	s0 =	simm.s32 @!p0 $0x0  }
0x12: {  	s1 =	sld [smem:$0x3F9B];
	s0 =	simm.s32 @p0 $0x1  }
0x13: {  	[smem:$0x3FB6] =	sst s0;
	s0 =	simm.s32 @!p1 $0x0  }
0x14: {  	s2 =	sld [smem:$0x3F9A];
	s0 =	simm.s32 @p1 $0x1  }
0x15: {  	[smem:$0x3FB7] =	sst s0;
	s0 =	simm.s32 @!p2 $0x0  }
0x16: {  	s3 =	sld [smem:$0x3FDB];
	s0 =	simm.s32 @p2 $0x1  }
0x17: {  	s4 =	simm.s32 $0x1BF5;
	[smem:$0x3FB9] =	sst s0  }
0x18: {  	s0 =	sld [smem:$0x3F9C];
	_ =	swait.ge [sflag:s4], $0x0  }
0x19: {  	s7 =	sld [smem:$0x3F9D]  }
0x1a: {  	s8 =	sadd.s32 $0xFFFFE003, lr  }
0x1b: {  	s9 =	sadd.s32 $0xFFFFFEF7, lr;
	s5 =	simm.s32 $0xFFFFFFFF;
	p2 =	slt.u32 s8, $0xFFFFF086  }
0x1c: {  	p1 =	slt.u32 s9, $0xF7A;
	s5 =	simm.s32 @!p2 $0x0  }
0x1d: {  	s5 =	simm.s32 @p1 $0x1;
	p0 =	seq.s32 s7, s2  }
0x1e: {  	s7 =	smul.u32 @!p0 $0xF7A, s2;
	p2 =	seq.s32 @!p0 s5, $0x0  }
0x1f: {  	s9 =	smul.u32 $0xF7A, s1;
	s8 =	simm.s32 @!p0 $0x1BF5;
	p2 =	por !p2, p0  }
0x20: {  	[sflag:s8] =	ssyncset.s32 @!p0 $0xFFFFF086;
	s6 =	sadd.s32 @!p0 s3, s7;
	s7 =	simm.s32 @!p0 $0x108  }
0x21: {  	s3 =	sadd.s32 s3, s9;
	s6 =	sadd.s32 @!p0 $0x88, s6;
	s7 =	simm.s32 @p2 $0x1082  }
0x22: {  	[simem:s7], [sflag:s8] =	dma.local @!p0 [hbm:s6], $0xF7A  }
0x23: {  	s9 =	sor.u32 $0xD0000000, s2;
	s6 =	simm.s32 $0x108;
	_ =	swait.ge @!p0 [sflag:s8], $0x0  }
0x24: {  	s3 =	sadd.s32 $0x88, s3;
	s6 =	simm.s32 @!p1 $0x1082;
	[sflag:s4] =	ssyncset.s32 $0xFFFFF086  }
0x25: {  	[simem:s6], [sflag:s4] =	dma.local [hbm:s3], $0xF7A  }
0x26: {  	[smem:$0x3F9D] =	sst s1;
	(tag) =	ssettag s2;
	_ =	strace s9  }
0x27: {  	s1 =	sld [smem:$0x3FAD]  }
0x28: {  	s2 =	sld [smem:$0x3FAE]  }
0x29: {  	s4 =	sld [smem:$0x3FB0]  }
0x2a: {  	p0 =	seq.s32 s5, $0x0;
	s5 =	sld [smem:$0x3FB1]  }
0x2b: {  	s6 =	sld [smem:$0x3FB2]  }
0x2c: {  	s7 =	sld [smem:$0x3FB3]  }
0x2d: {  	s3 =	simm.s32 $0x108;
	s8 =	sld [smem:$0x3FB4]  }
0x2e: {  	s3 =	simm.s32 @!p0 $0x1082;
	s9 =	sld [smem:$0x3FB5]  }
0x2f: {  	lr =	sadd.s32 s0, s3;
	s0 =	sld [smem:$0x3FAC]  }
0x30: {  	s3 =	sld [smem:$0x3FAF]  }
0x31: {  	[smem:$0x3FB8] =	sst s10  }
0x32: {  	s10 =	sld [smem:$0x3FB6];
	_ =	sdelay $0x3  }
0x33: {  	p0 =	seq.s32 s10, $0x1;
	s10 =	sld [smem:$0x3FB8];
	_ =	sdelay $0x3  }
0x34: {  	[smem:$0x3FB8] =	sst s10  }
0x35: {  	s10 =	sld [smem:$0x3FB7];
	_ =	sdelay $0x3  }
0x36: {  	p1 =	seq.s32 s10, $0x1;
	s10 =	sld [smem:$0x3FB8];
	_ =	sdelay $0x3  }
0x37: {  	[smem:$0x3FB8] =	sst s10  }
0x38: {  	s10 =	sld [smem:$0x3FB9]  }
0x39: {  	_ = 	snop;
	(pc) =	sbr.ind lr, $3  }
0x3a: {  	_ = 	snop  }
0x3b: {  	_ = 	snop  }
0x3c: {  	p2 =	seq.s32 s10, $0x1;
	s10 =	sld [smem:$0x3FB8]  }
0x3d: {  	_ =	shalt  }
0x3e: {  	_ =	shalt  }
0x3f: {  	_ =	shalt  }
0x40: {  	_ =	shalt  }
0x41: {  	_ =	shalt  }
0x42: {  	_ =	shalt  }
0x43: {  	_ =	shalt  }
0x44: {  	_ =	shalt  }
0x45: {  	_ =	shalt  }
0x46: {  	_ =	shalt  }
0x47: {  	_ =	shalt  }
0x48: {  	_ =	shalt  }
0x49: {  	_ =	shalt  }
0x4a: {  	_ =	shalt  }
0x4b: {  	_ =	shalt  }
0x4c: {  	_ =	shalt  }
0x4d: {  	_ =	shalt  }
0x4e: {  	_ =	shalt  }
0x4f: {  	_ =	shalt  }
0x50: {  	_ =	shalt  }
0x51: {  	_ =	shalt  }
0x52: {  	_ =	shalt  }
0x53: {  	_ =	shalt  }
0x54: {  	_ =	shalt  }
0x55: {  	_ =	shalt  }
0x56: {  	_ =	shalt  }
0x57: {  	_ =	shalt  }
0x58: {  	_ =	shalt  }
0x59: {  	_ =	shalt  }
0x5a: {  	_ =	shalt  }
0x5b: {  	_ =	shalt  }
0x5c: {  	_ =	shalt  }
0x5d: {  	_ =	shalt  }
0x5e: {  	_ =	shalt  }
0x5f: {  	_ =	shalt  }
0x60: {  	_ =	shalt  }
0x61: {  	_ =	shalt  }
0x62: {  	_ =	shalt  }
0x63: {  	_ =	shalt  }
0x64: {  	_ =	shalt  }
0x65: {  	_ =	shalt  }
0x66: {  	_ =	shalt  }
0x67: {  	_ =	shalt  }
0x68: {  	_ =	shalt  }
0x69: {  	_ =	shalt  }
0x6a: {  	_ =	shalt  }
0x6b: {  	_ =	shalt  }
0x6c: {  	_ =	shalt  }
0x6d: {  	_ =	shalt  }
0x6e: {  	_ =	shalt  }
0x6f: {  	_ =	shalt  }
0x70: {  	_ =	shalt  }
0x71: {  	_ =	shalt  }
0x72: {  	_ =	shalt  }
0x73: {  	_ =	shalt  }
0x74: {  	_ =	shalt  }
0x75: {  	_ =	shalt  }
0x76: {  	_ =	shalt  }
0x77: {  	_ =	shalt  }
0x78: {  	_ =	shalt  }
0x79: {  	_ =	shalt  }
0x7a: {  	_ =	shalt  }
0x7b: {  	_ =	shalt  }
0x7c: {  	_ =	shalt  }
0x7d: {  	_ =	shalt  }
0x7e: {  	_ =	shalt  }
0x7f: {  	_ =	shalt  }
0x80: {  	_ =	shalt  }
0x81: {  	_ =	shalt  }
0x82: {  	_ =	shalt  }
0x83: {  	_ =	shalt  }
0x84: {  	_ =	shalt  }
0x85: {  	_ =	shalt  }
0x86: {  	_ =	shalt  }
0x87: {  	_ =	shalt  }
.Lfunc_end0:
.L_simem_size_0:
called_computation_lowered:
.L_overlay_start_0:
0x88: {  	s2 =	sld [smem:$0x3FD9]  }
0x89: {  	s3 =	sld [smem:$0x3FFE];
	_ =	sdelay $0x1  }
0x8a: {  	s1 =	srdreg.scid  }
0x8b: {  	s0 =	sand.u32 $0x1, s1  }
0x8c: {  	s17 =	sshll.u32 s0, $0xA;
	s2 =	sadd.s32 s3, s2  }
0x8d: {  	s2 =	sadd.s32 s2, s17  }
0x8e: {  	[smem:$0x3FC4] =	sst s2  }
0x8f: {  	_ = 	snop  }
0x90: {  	s2 =	sld [smem:$0x3FC8]  }
0x91: {  	s18 =	sld [smem:$0x3FD0];
	(tm) =	ssettm $0x1  }
0x92: {  	s4 =	sld [smem:$0x3FFB];
	_ =	sdelay $0x3  }
0x93: {  	_ =	strace s4  }
0x94: {  	s4 =	sld [smem:$0x3FFC];
	_ =	sdelay $0x3  }
0x95: {  	_ =	strace s4  }
0x96: {  	s4 =	sld [smem:$0x3FFD];
	_ =	sdelay $0x3  }
0x97: {  	_ =	strace s4  }
0x98: {  	_ =	strace $0x8FFFFFFF  }
0x99: {  	s19 =	sld [smem:$0x3FDB];
	_ =	sdelay $0x1  }
0x9a: {  	s5 =	simm.s32 $_scs_section_size  }
0x9b: {  	s6 =	simm.s32 $_size__tile_overlayer_lowered;
	s7 =	simm.s32 $_tile_overlayer_lowered  }
0x9c: {  	s22 =	simm.s32 $0x1BFF;
	s21 =	sshll.u32 s7, $0x1;
	s4 =	sadd.s32 s5, s19  }
0x9d: {  	s8 =	simm.s32 $0x0;
	s20 =	sshll.u32 s6, $0x1;
	s6 =	sadd.s32 s21, s4  }
0x9e: {  	[timem:s8], [sflag:s22] =	dma.local [hbm:s6], s20  }
0x9f: {  	_ =	swait.ge [sflag:s22], s20  }
0xa0: {  	s5 =	ssub.s32 $0x0, s20;
	[sflag:s22] =	ssyncset.done $0x0  }
0xa1: {  	[sflag:s22] =	ssyncadd.s32 s5;
	_ =	sdelay $0x1  }
0xa2: {  	s23 =	simm.s32 $0x1B8B  }
0xa3: {  	_ =	swait.ge [sflag:s23], $0x1  }
0xa4: {  	[sflag:s23] =	ssyncset.done $0x0  }
0xa5: {  	s25 =	simm.s32 $0x1B8E;
	s24 =	sld [smem:$0x3FFE];
	[sflag:s23] =	ssyncadd.s32 $0xFFFFFFFF  }
0xa6: {  	s26 =	simm.s32 $execute0_lowered;
	[smem:$0x3FD2] =	sst s25  }
0xa7: {  	s6 =	sshll.u32 s26, $0x1;
	_ =	strace $0x80000046;
	[dreg:$0x1] =	wrdreg $0xFFFFFFFF  }
0xa8: {  	s28 =	simm.s32 $_size_execute0_lowered;
	s4 =	sadd.s32 s4, s6;
	[dreg:$0x0] =	wrdreg $0x0  }
0xa9: {  	s6 =	sshll.u32 s28, $0x1;
	[dreg:$0x2] =	wrdreg s4  }
0xaa: {  	[dreg:$0x3] =	wrdreg s6  }
0xab: {  	[dreg:$0x4] =	wrdreg $0xC0  }
0xac: {  	_ =	task [dreg:s8], $0x5FFFF  }
0xad: {  	[dreg:$0x1] =	wrdreg $0xFFFFFFFF  }
0xae: {  	[dreg:$0x0] =	wrdreg $0x60  }
0xaf: {  	[dreg:$0x2] =	wrdreg s24  }
0xb0: {  	[dreg:$0x3] =	wrdreg s2  }
0xb1: {  	[dreg:$0x4] =	wrdreg s18  }
0xb2: {  	[dreg:$0x5] =	wrdreg $0x9  }
0xb3: {  	_ =	task.clear_ibuf [dreg:s8], $0x6FFFF;
	_ =	strace $0x90000046  }
0xb4: {  	s29 =	simm.s32 $0x9;
	_ =	strace $0x80000048  }
0xb5: {  	_ =	swait.ge [sflag:s29], $0x1  }
0xb6: {  	[sflag:s29] =	ssyncadd.s32 $0xFFFFFFFF  }
0xb7: {  	_ =	strace $0x90000048  }
0xb8: {  	_ =	sfence  }
0xb9: {  	s30 =	sld [smem:$0x0];
	_ =	sdelay $0x2  }
0xba: {  	s31 =	sshll.u32 s1, $0xD;
	s1 =	sshrl.u32 s1, $0x2  }
0xbb: {  	s3 =	sand.u32 $0x4000, s31;
	s1 =	sadd.s32 s1, s30  }
0xbc: {  	s0 =	sor.u32 s3, s0;
	s1 =	sshll.u32 s1, $0x11  }
0xbd: {  	s0 =	sor.u32 s1, s0  }
0xbe: {  	s0 =	sadd.s32 $0x8F2B, s0  }
0xbf: {  	[sflag:s0] =	ssyncadd.remote.s32 $0x1  }
0xc0: {  	_ =	sfence.sel $0xFFFF  }
0xc1: {  	[dreg:$0x0] =	wrdreg $0xFFFFFFFF;
	(pc) =	sbr.abs _section_cstart, $3  }
0xc2: {  	[dreg:$0x1] =	wrdreg $0xFFFFFFFF  }
0xc3: {  	_ =	task.clear_ibuf [dreg:s8], $0x2FFFF;
	_ =	strace $0x9FFFFFFF  }
0xc4: {  	(tm) =	ssettm $0x7FFFFFFF  }
0xc5: {  	_ =	shalt  }
tec
execute0_lowered:
.L_overlay_start_1:
0x0: {  	(tag) =	ssettag $0x1  }
0x1: {  	s1 =	srdreg.scid;
	s4 =	rddreg [dreg:$0x0]  }
0x2: {  	s0 =	stileid.u32;
	s7 =	rddreg [dreg:$0x2]  }
0x3: {  	v0 =	vimm.s32 $0xEFCDAB89;
	s3 =	simm.s32 $0x0;
	s10 =	simm.s32 $0x5;
	s11 =	simm.s32 $0x1A900  }
0x4: {  	v1 =	vimm.s32 $0x67452301;
	s12 =	simm.s32 $0xC8;
	s13 =	simm.s32 $0x1900;
	s14 =	simm.s32 $0x7D00  }
0x5: {  	v2 =	vimm.s32 $0xDCFE98BA;
	s15 =	simm.s32 $0x190;
	s16 =	simm.s32 $0xE100;
	s17 =	simm.s32 $0x14500  }
0x6: {  	v3 =	vimm.s32 $0x54761032;
	v4 =	vimm.s32 $0xBA98FEDC;
	v5 =	vimm.s32 $0x32107654;
	s18 =	simm.s32 $0x1;
	s19 =	simm.s32 $0x2;
	s20 =	simm.s32 $0x3  }
0x7: {  	v6 =	vimm.s32 $0xFEDCBA98;
	v7 =	vimm.s32 $0x76543210;
	s21 =	simm.s32 $0x4;
	s22 =	simm.s32 $0x1AA00;
	s23 =	simm.s32 $0x0  }
0x8: {  	s5 =	sand.u32 $0x1, s1;
	s2 =	sshll.u32 s0, $0x1;
	s1 =	rddreg [dreg:$0x1];
	v0 =	vunpack.c.l.s4.s8 v0;
	v1 =	vunpack.c.l.s4.s8 v1;
	v2 =	vunpack.c.l.s4.s8 v2  }
0x9: {  	s30 =	sshrl.u32 s0, $0x2;
	[smem:$0x7FF] =	sst s3;
	v3 =	vunpack.c.l.s4.s8 v3;
	v4 =	vunpack.c.l.s4.s8 v4;
	v5 =	vunpack.c.l.s4.s8 v5;
	s6 =	sor.u32 s5, s2  }
0xa: {  	v6 =	vunpack.c.l.s4.s8 v6;
	v7 =	vunpack.c.l.s4.s8 v7;
	s8 =	smul.u32 $0xC800, s30;
	s2 =	rddreg [dreg:$0x3];
	s9 =	sshll.u32 s6, $0x7;
	v0 =	vunpack.c.0.s8.s32 v0  }
0xb: {  	_ =	strace $0x80000047;
	s5 =	ssub.s32 $0x2, s5;
	v1 =	vunpack.c.0.s8.s32 v1;
	v2 =	vunpack.c.0.s8.s32 v2;
	v3 =	vunpack.c.0.s8.s32 v3;
	s9 =	sand.u32 $0x380, s9  }
0xc: {  	s31 =	sshrl.u32 s5, $0x1;
	s6 =	sshll.u32 s6, $0x4;
	v4 =	vunpack.c.0.s8.s32 v4;
	v5 =	vunpack.c.0.s8.s32 v5;
	v6 =	vunpack.c.0.s8.s32 v6;
	s8 =	sor.u32 s8, s9  }
0xd: {  	v7 =	vunpack.c.0.s8.s32 v7;
	s6 =	sadd.s32 s7, s6;
	s9 =	ssub.s32 s5, s31;
	v0 =	vcombine.low v1, v0;
	s8 =	sshrl.u32 s8, $0x3  }
0xe: {  	v1 =	vcombine.low v3, v2;
	v2 =	vcombine.low v5, v4;
	v4 =	vand.u32 $0xF, v6;
	s7 =	smax.u32 s9, $0x1;
	s9 =	simm.s32 $0x400;
	s8 =	sadd.s32 s8, s4  }
0xf: {  	v3 =	vimm.f32 $0.0e+00;
	v5 =	vlaneseq.u32;
	v4 =	vcombine.low v4, v7;
	s4 =	sadd.s32 $0x6800, s4;
	s5 =	sadd.s32 $0x400, s8;
	s8 =	simm.s32 $0x80  }
.LBB2_1:
0x10: {  	[tilespmem:s3], [sflag:$0x5] =	stream.strided.gather [hbm4b:s5+s8], $0x1900, s9, s8, $0x38;
	[tilespmem:$0x1AA80] =	vst v63  }
0x11: {  	_ =	swait.ge [sflag:s10], $0x1900  }
0x12: {  	[sflag:s10] =	ssyncset.done $0x0  }
0x13: {  	[sflag:s10] =	ssyncadd.s32 $0xFFFFE700  }
0x14: {  	[tilespmem:s11], [sflag:$0x5] =	stream.linear.gather [hbm4b:s4+s3], $0x100, $0x38;
	[tilespmem:$0x1AA80] =	vst v63  }
0x15: {  	_ =	swait.ge [sflag:s10], $0x100  }
0x16: {  	[sflag:s10] =	ssyncset.done $0x0  }
0x17: {  	[sflag:s10] =	ssyncadd.s32 $0xFFFFFF00  }
0x18: {  	[tilespmem:$0x1AA00] =	vst v3  }
0x19: {  	[tilespmem:$0x1AA10] =	vst v3  }
0x1a: {  	[tilespmem:$0x1AA20] =	vst v3  }
0x1b: {  	[tilespmem:$0x1AA30] =	vst v3  }
0x1c: {  	[tilespmem:$0x1AA40] =	vst v3  }
0x1d: {  	[tilespmem:$0x1AA50] =	vst v3  }
0x1e: {  	[tilespmem:$0x1AA60] =	vst v3  }
0x1f: {  	[tilespmem:$0x1AA70] =	vst v3  }
0x20: {  	[tilespmem:s13], [sflag:$0x1] =	stream.indirect.gather [hbm4b:s1+s12], $0x80, s3, s12, $0xb8;
	[tilespmem:$0x1AA80] =	vst v63  }
0x21: {  	_ = 	snop  }
0x22: {  	[tilespmem:s14], [sflag:$0x2] =	stream.indirect.gather [hbm4b:s1+s12], $0x80, s12, s12, $0xb8;
	[tilespmem:$0x1AA80] =	vst v63  }
0x23: {  	s24 =	simm.s32 $0x0  }
0x24: {  	[tilespmem:s16], [sflag:$0x3] =	stream.indirect.gather [hbm4b:s1+s12], $0x80, s15, s12, $0xb8;
	[tilespmem:$0x1AA80] =	vst v63  }
.LBB2_2:
0x25: {  	s25 =	smul.u32 $0xC80, s24;
	_ =	sdelay $0x1  }
0x26: {  	s26 =	sshra.s32 s25, $0x2  }
0x27: {  	s25 =	sadd.s32 $0x258, s26  }
0x28: {  	[tilespmem:s17], [sflag:$0x4] =	stream.indirect.gather [hbm4b:s1+s12], $0x80, s25, s12, $0xb8;
	[tilespmem:$0x1AA80] =	vst v63  }
0x29: {  	_ =	swait.ge [sflag:s18], $0x6400  }
0x2a: {  	[sflag:s18] =	ssyncset.done $0x0  }
0x2b: {  	[sflag:s18] =	ssyncadd.s32 $0xFFFF9C00  }
0x2c: {  	v6 =	vld [tilespmem:$0x1A900]  }
0x2d: {  	v7 =	vld [tilespmem:$0x1A910]  }
0x2e: {  	v8 =	vld [tilespmem:$0x1A920]  }
0x2f: {  	v9 =	vld [tilespmem:$0x1A930]  }
0x30: {  	v10 =	vld [tilespmem:$0x1A940]  }
0x31: {  	v11 =	vld [tilespmem:$0x1A950]  }
0x32: {  	v12 =	vld [tilespmem:$0x1A960]  }
0x33: {  	v14 =	vimm.f32 $0.0e+00;
	s28 =	simm.s32 $0x1980;
	v13 =	vimm.f32 $0.0e+00;
	s25 =	simm.s32 $0x0;
	v15 =	vld [tilespmem:$0x1A970]  }
.LBB2_3:
0x34: {  	v17 =	vld [tilespmem:s28+$0x0]  }
0x35: {  	v20 =	vld [tilespmem:s28+$0x10]  }
0x36: {  	v26 =	vld [tilespmem:s28+$0x20]  }
0x37: {  	v22 =	vld [tilespmem:s28+$0x30]  }
0x38: {  	v18 =	vld [tilespmem:s28+$0x40]  }
0x39: {  	v19 =	vld [tilespmem:s28+$0xFFFFFF80]  }
0x3a: {  	v23 =	vld [tilespmem:s28+$0xFFFFFF90]  }
0x3b: {  	v24 =	vld [tilespmem:s28+$0xFFFFFFA0]  }
0x3c: {  	v25 =	vld [tilespmem:s28+$0xFFFFFFB0]  }
0x3d: {  	v16 =	vld [tilespmem:s28+$0x50]  }
0x3e: {  	v29 =	vld [tilespmem:s28+$0xFFFFFFC0]  }
0x3f: {  	v27 =	vld [tilespmem:s28+$0xFFFFFFD0]  }
0x40: {  	v21 =	vld [tilespmem:s28+$0xFFFFFFE0];
	v28 =	vadd.f32 v19, v14;
	v23 =	vadd.f32 v23, v14  }
0x41: {  	v19 =	vld [tilespmem:s28+$0xFFFFFFF0];
	v33 =	vadd.f32 v24, v14;
	v32 =	vadd.f32 v25, v14  }
0x42: {  	v25 =	vld [tilespmem:s28+$0x60];
	v24 =	vimm.f32 $0.0e+00;
	v31 =	vadd.f32 v17, v28;
	v30 =	vadd.f32 v20, v23  }
0x43: {  	s29 =	simm.s32 $0x0;
	s30 =	sadd.s32 $0x100, s28;
	v28 =	vimm.f32 $0.0e+00;
	v23 =	vld [tilespmem:s28+$0x70];
	v20 =	vimm.f32 $0.0e+00;
	v17 =	vimm.f32 $0.0e+00  }
.LBB2_4:
0x44: {  	v34 =	vld [tilespmem:s30+$0x0];
	v33 =	vadd.f32 v26, v33;
	v32 =	vadd.f32 v22, v32  }
0x45: {  	v28 =	vadd.f32 v29, v28;
	v24 =	vadd.f32 v27, v24;
	v35 =	vld [tilespmem:s30+$0x10]  }
0x46: {  	v20 =	vadd.f32 v21, v20;
	v26 =	vld [tilespmem:s30+$0x20];
	v17 =	vadd.f32 v19, v17  }
0x47: {  	v28 =	vadd.f32 v18, v28;
	v24 =	vadd.f32 v16, v24;
	v22 =	vld [tilespmem:s30+$0x30]  }
0x48: {  	v20 =	vadd.f32 v25, v20;
	v18 =	vld [tilespmem:s30+$0x40];
	v17 =	vadd.f32 v23, v17  }
0x49: {  	v16 =	vld [tilespmem:s30+$0x50]  }
0x4a: {  	v19 =	vld [tilespmem:s30+$0xFFFFFF80]  }
0x4b: {  	v23 =	vld [tilespmem:s30+$0xFFFFFF90]  }
0x4c: {  	v25 =	vld [tilespmem:s30+$0xFFFFFFA0]  }
0x4d: {  	s29 =	sadd.s32 $0x2, s29;
	v36 =	vld [tilespmem:s30+$0xFFFFFFB0]  }
0x4e: {  	p0 =	slt.u32 s29, $0x30;
	v29 =	vld [tilespmem:s30+$0xFFFFFFC0]  }
.Ltmp0:
0x4f: {  	v27 =	vld [tilespmem:s30+$0xFFFFFFD0];
	(pc) =	sbr.rel @p0 .LBB2_4-.Ltmp0, $4  }
0x50: {  	v21 =	vld [tilespmem:s30+$0xFFFFFFE0]  }
0x51: {  	v31 =	vadd.f32 v19, v31;
	v23 =	vadd.f32 v23, v30;
	v19 =	vld [tilespmem:s30+$0xFFFFFFF0]  }
0x52: {  	v33 =	vadd.f32 v25, v33;
	v32 =	vadd.f32 v36, v32;
	v25 =	vld [tilespmem:s30+$0x60]  }
0x53: {  	v31 =	vadd.f32 v34, v31;
	v30 =	vadd.f32 v35, v23;
	v23 =	vld [tilespmem:s30+$0x70];
	s30 =	sadd.s32 $0x100, s30  }
0x54: {  	_ = 	snop  }
0x55: {  	v31 =	vmul.f32 $1.999999960e-02, v31;
	_ =	sdelay $0x1  }
0x56: {  	v31 =	vsub.f32 $0.0e+00, v31;
	_ =	sdelay $0x1  }
0x57: {  	v31 =	vmul.f32 $1.442695020e+00, v31;
	_ =	sdelay $0x1  }
0x58: {  	(erf) = vpow2.f32 v31;
	_ =	sdelay $0x6  }
0x59: {  	v30 =	vmul.f32 $1.999999960e-02, v30;
	_ =	sdelay $0x1  }
0x5a: {  	v30 =	vsub.f32 $0.0e+00, v30;
	v31 =	vpop (erf)  }
0x5b: {  	v31 =	vadd.f32 $1.000000000e+00, v31  }
0x5c: {  	v30 =	vmul.f32 $1.442695020e+00, v30  }
0x5d: {  	(erf) = vrcp.f32 v31  }
0x5e: {  	(erf) = vpow2.f32 v30;
	_ =	sdelay $0x4  }
0x5f: {  	v26 =	vadd.f32 v26, v33;
	_ =	sdelay $0x1  }
0x60: {  	v26 =	vmul.f32 $1.999999960e-02, v26  }
0x61: {  	v45 =	vpop (erf)  }
0x62: {  	v26 =	vsub.f32 $0.0e+00, v26;
	v46 =	vpop (erf)  }
0x63: {  	v31 =	vadd.f32 $1.000000000e+00, v46  }
0x64: {  	v26 =	vmul.f32 $1.442695020e+00, v26  }
0x65: {  	(erf) = vrcp.f32 v31  }
0x66: {  	(erf) = vpow2.f32 v26;
	_ =	sdelay $0x4  }
0x67: {  	v22 =	vadd.f32 v22, v32;
	_ =	sdelay $0x1  }
0x68: {  	v22 =	vmul.f32 $1.999999960e-02, v22  }
0x69: {  	v47 =	vpop (erf)  }
0x6a: {  	v22 =	vsub.f32 $0.0e+00, v22;
	v48 =	vpop (erf)  }
0x6b: {  	v31 =	vadd.f32 $1.000000000e+00, v48  }
0x6c: {  	v22 =	vmul.f32 $1.442695020e+00, v22  }
0x6d: {  	(erf) = vrcp.f32 v31  }
0x6e: {  	(erf) = vpow2.f32 v22;
	_ =	sdelay $0x2  }
0x6f: {  	v49 =	vadd.f32 v29, v28;
	_ =	sdelay $0x1  }
0x70: {  	v18 =	vadd.f32 v18, v49;
	_ =	sdelay $0x1  }
0x71: {  	v18 =	vmul.f32 $1.999999960e-02, v18  }
0x72: {  	v50 =	vpop (erf)  }
0x73: {  	v18 =	vsub.f32 $0.0e+00, v18;
	v51 =	vpop (erf)  }
0x74: {  	v28 =	vadd.f32 $1.000000000e+00, v51  }
0x75: {  	v18 =	vmul.f32 $1.442695020e+00, v18  }
0x76: {  	(erf) = vrcp.f32 v28  }
0x77: {  	(erf) = vpow2.f32 v18;
	_ =	sdelay $0x2  }
0x78: {  	v52 =	vadd.f32 v27, v24;
	_ =	sdelay $0x1  }
0x79: {  	v16 =	vadd.f32 v16, v52;
	_ =	sdelay $0x1  }
0x7a: {  	v16 =	vmul.f32 $1.999999960e-02, v16  }
0x7b: {  	v53 =	vpop (erf)  }
0x7c: {  	v16 =	vsub.f32 $0.0e+00, v16;
	v54 =	vpop (erf)  }
0x7d: {  	v24 =	vadd.f32 $1.000000000e+00, v54  }
0x7e: {  	v16 =	vmul.f32 $1.442695020e+00, v16  }
0x7f: {  	(erf) = vrcp.f32 v24  }
0x80: {  	(erf) = vpow2.f32 v16;
	_ =	sdelay $0x2  }
0x81: {  	v16 =	vadd.f32 v21, v20;
	_ =	sdelay $0x1  }
0x82: {  	v16 =	vadd.f32 v25, v16;
	_ =	sdelay $0x1  }
0x83: {  	v16 =	vmul.f32 $1.999999960e-02, v16  }
0x84: {  	v55 =	vpop (erf)  }
0x85: {  	v16 =	vsub.f32 $0.0e+00, v16;
	v56 =	vpop (erf)  }
0x86: {  	v21 =	vadd.f32 $1.000000000e+00, v56  }
0x87: {  	v16 =	vmul.f32 $1.442695020e+00, v16  }
0x88: {  	(erf) = vrcp.f32 v21  }
0x89: {  	(erf) = vpow2.f32 v16;
	_ =	sdelay $0x2  }
0x8a: {  	v16 =	vadd.f32 v19, v17;
	_ =	sdelay $0x1  }
0x8b: {  	v16 =	vadd.f32 v23, v16;
	_ =	sdelay $0x1  }
0x8c: {  	v16 =	vmul.f32 $1.999999960e-02, v16  }
0x8d: {  	v17 =	vpop (erf)  }
0x8e: {  	v16 =	vsub.f32 $0.0e+00, v16;
	v57 =	vpop (erf)  }
0x8f: {  	v19 =	vadd.f32 $1.000000000e+00, v57  }
0x90: {  	v16 =	vmul.f32 $1.442695020e+00, v16  }
0x91: {  	(erf) = vrcp.f32 v19  }
0x92: {  	(erf) = vpow2.f32 v16;
	_ =	sdelay $0x7  }
0x93: {  	v58 =	vmul.f32 v6, v45;
	v16 =	vpop (erf)  }
0x94: {  	v59 =	vpop (erf)  }
0x95: {  	v60 =	vmul.f32 v7, v47;
	v19 =	vadd.f32 $0.0e+00, v58;
	v21 =	vadd.f32 $1.000000000e+00, v59;
	_ =	sdelay $0x1  }
0x96: {  	v22 =	vmul.f32 v8, v50;
	v19 =	vadd.f32 v60, v19;
	(erf) = vrcp.f32 v21;
	_ =	sdelay $0x1  }
0x97: {  	v18 =	vmul.f32 v9, v53;
	v19 =	vadd.f32 v22, v19;
	_ =	sdelay $0x1  }
0x98: {  	v61 =	vmul.f32 v10, v55;
	v18 =	vadd.f32 v18, v19;
	_ =	sdelay $0x1  }
0x99: {  	v17 =	vmul.f32 v11, v17;
	v18 =	vadd.f32 v61, v18;
	_ =	sdelay $0x1  }
0x9a: {  	v17 =	vadd.f32 v17, v18;
	v16 =	vmul.f32 v12, v16  }
0x9b: {  	v62 =	vpop (erf)  }
0x9c: {  	v16 =	vadd.f32 v16, v17;
	v17 =	vmul.f32 v15, v62;
	_ =	sdelay $0x1  }
0x9d: {  	v16 =	vadd.f32 v17, v16;
	_ =	sdelay $0x1  }
0x9e: {  	v17 =	vperm.xlane v16, v0;
	_ =	sdelay $0x1  }
0x9f: {  	v16 =	vadd.f32 v16, v17;
	_ =	sdelay $0x1  }
0xa0: {  	v17 =	vperm.xlane v16, v1;
	_ =	sdelay $0x1  }
0xa1: {  	v16 =	vadd.f32 v16, v17;
	_ =	sdelay $0x1  }
0xa2: {  	v17 =	vperm.xlane v16, v2;
	_ =	sdelay $0x1  }
0xa3: {  	v63 =	vmov s25;
	s25 =	sadd.s32 $0x1, s25;
	v16 =	vadd.f32 v16, v17  }
0xa4: {  	p0 =	sne.s32 s25, $0x4  }
.Ltmp1:
0xa5: {  	v17 =	vperm.xlane v16, v4;
	(pc) =	sbr.rel @p0 .LBB2_3-.Ltmp1, $4  }
0xa6: {  	_ = 	snop  }
0xa7: {  	v16 =	vadd.f32 v16, v17  }
0xa8: {  	vm0 =	veq.s32 v63, v5  }
0xa9: {  	s28 =	sadd.s32 $0x1900, s28;
	v13 =	vsel vm0, v16, v13  }
0xaa: {  	s25 =	sshll.u32 s24, $0x6  }
0xab: {  	s25 =	sshrl.u32 s25, $0x2  }
0xac: {  	v6 =	vld [tilespmem:s25+$0x1AA00];
	_ =	sdelay $0x4  }
0xad: {  	v6 =	vadd.f32 v6, v13  }
0xae: {  	p0 =	seq.s32 s24, $0x7  }
0xaf: {  	s28 =	sadd.s32 @!p0 $0x320, s26;
	s29 =	simm.s32 @!p0 $0xC8;
	s30 =	simm.s32 @!p0 $0x1900;
	[tilespmem:s25+$0x1AA00] =	vst v6  }
0xb0: {  	[tilespmem:s30], [sflag:$0x1] =	stream.indirect.gather @!p0 [hbm4b:s1+s29], $0x80, s28, s29, $0xb8;
	[tilespmem:$0x1AA80] =	vst v63  }
0xb1: {  	_ =	swait.ge [sflag:s19], $0x6400  }
0xb2: {  	[sflag:s19] =	ssyncset.done $0x0  }
0xb3: {  	[sflag:s19] =	ssyncadd.s32 $0xFFFF9C00  }
0xb4: {  	v6 =	vld [tilespmem:$0x1A900]  }
0xb5: {  	v7 =	vld [tilespmem:$0x1A910]  }
0xb6: {  	v8 =	vld [tilespmem:$0x1A920]  }
0xb7: {  	v9 =	vld [tilespmem:$0x1A930]  }
0xb8: {  	v10 =	vld [tilespmem:$0x1A940]  }
0xb9: {  	v11 =	vld [tilespmem:$0x1A950]  }
0xba: {  	v12 =	vld [tilespmem:$0x1A960]  }
0xbb: {  	v14 =	vimm.f32 $0.0e+00;
	v13 =	vimm.f32 $0.0e+00;
	s28 =	simm.s32 $0x0;
	s29 =	simm.s32 $0x7D80;
	v15 =	vld [tilespmem:$0x1A970]  }
.LBB2_7:
0xbc: {  	v17 =	vld [tilespmem:s29+$0x0]  }
0xbd: {  	v20 =	vld [tilespmem:s29+$0x10]  }
0xbe: {  	v26 =	vld [tilespmem:s29+$0x20]  }
0xbf: {  	v22 =	vld [tilespmem:s29+$0x30]  }
0xc0: {  	v18 =	vld [tilespmem:s29+$0x40]  }
0xc1: {  	v19 =	vld [tilespmem:s29+$0xFFFFFF80]  }
0xc2: {  	v23 =	vld [tilespmem:s29+$0xFFFFFF90]  }
0xc3: {  	v24 =	vld [tilespmem:s29+$0xFFFFFFA0]  }
0xc4: {  	v25 =	vld [tilespmem:s29+$0xFFFFFFB0]  }
0xc5: {  	v16 =	vld [tilespmem:s29+$0x50]  }
0xc6: {  	v29 =	vld [tilespmem:s29+$0xFFFFFFC0]  }
0xc7: {  	v27 =	vld [tilespmem:s29+$0xFFFFFFD0]  }
0xc8: {  	v21 =	vld [tilespmem:s29+$0xFFFFFFE0];
	v28 =	vadd.f32 v19, v13;
	v23 =	vadd.f32 v23, v13  }
0xc9: {  	v19 =	vld [tilespmem:s29+$0xFFFFFFF0];
	v33 =	vadd.f32 v24, v13;
	v32 =	vadd.f32 v25, v13  }
0xca: {  	v25 =	vld [tilespmem:s29+$0x60];
	v24 =	vimm.f32 $0.0e+00;
	v31 =	vadd.f32 v17, v28;
	v30 =	vadd.f32 v20, v23  }
0xcb: {  	s30 =	simm.s32 $0x0;
	s31 =	sadd.s32 $0x100, s29;
	v28 =	vimm.f32 $0.0e+00;
	v23 =	vld [tilespmem:s29+$0x70];
	v20 =	vimm.f32 $0.0e+00;
	v17 =	vimm.f32 $0.0e+00  }
.LBB2_8:
0xcc: {  	v34 =	vld [tilespmem:s31+$0x0];
	v33 =	vadd.f32 v26, v33;
	v32 =	vadd.f32 v22, v32  }
0xcd: {  	v28 =	vadd.f32 v29, v28;
	v24 =	vadd.f32 v27, v24;
	v35 =	vld [tilespmem:s31+$0x10]  }
0xce: {  	v20 =	vadd.f32 v21, v20;
	v26 =	vld [tilespmem:s31+$0x20];
	v17 =	vadd.f32 v19, v17  }
0xcf: {  	v28 =	vadd.f32 v18, v28;
	v24 =	vadd.f32 v16, v24;
	v22 =	vld [tilespmem:s31+$0x30]  }
0xd0: {  	v20 =	vadd.f32 v25, v20;
	v18 =	vld [tilespmem:s31+$0x40];
	v17 =	vadd.f32 v23, v17  }
0xd1: {  	v16 =	vld [tilespmem:s31+$0x50]  }
0xd2: {  	v19 =	vld [tilespmem:s31+$0xFFFFFF80]  }
0xd3: {  	v23 =	vld [tilespmem:s31+$0xFFFFFF90]  }
0xd4: {  	v25 =	vld [tilespmem:s31+$0xFFFFFFA0]  }
0xd5: {  	s30 =	sadd.s32 $0x2, s30;
	v36 =	vld [tilespmem:s31+$0xFFFFFFB0]  }
0xd6: {  	p1 =	slt.u32 s30, $0x30;
	v29 =	vld [tilespmem:s31+$0xFFFFFFC0]  }
.Ltmp2:
0xd7: {  	v27 =	vld [tilespmem:s31+$0xFFFFFFD0];
	(pc) =	sbr.rel @p1 .LBB2_8-.Ltmp2, $4  }
0xd8: {  	v21 =	vld [tilespmem:s31+$0xFFFFFFE0]  }
0xd9: {  	v31 =	vadd.f32 v19, v31;
	v23 =	vadd.f32 v23, v30;
	v19 =	vld [tilespmem:s31+$0xFFFFFFF0]  }
0xda: {  	v33 =	vadd.f32 v25, v33;
	v32 =	vadd.f32 v36, v32;
	v25 =	vld [tilespmem:s31+$0x60]  }
0xdb: {  	v31 =	vadd.f32 v34, v31;
	v30 =	vadd.f32 v35, v23;
	v23 =	vld [tilespmem:s31+$0x70];
	s31 =	sadd.s32 $0x100, s31  }
0xdc: {  	_ = 	snop  }
0xdd: {  	v31 =	vmul.f32 $1.999999960e-02, v31;
	_ =	sdelay $0x1  }
0xde: {  	v31 =	vsub.f32 $0.0e+00, v31;
	_ =	sdelay $0x1  }
0xdf: {  	v31 =	vmul.f32 $1.442695020e+00, v31;
	_ =	sdelay $0x1  }
0xe0: {  	(erf) = vpow2.f32 v31;
	_ =	sdelay $0x6  }
0xe1: {  	v30 =	vmul.f32 $1.999999960e-02, v30;
	_ =	sdelay $0x1  }
0xe2: {  	v30 =	vsub.f32 $0.0e+00, v30;
	v31 =	vpop (erf)  }
0xe3: {  	v31 =	vadd.f32 $1.000000000e+00, v31  }
0xe4: {  	v30 =	vmul.f32 $1.442695020e+00, v30  }
0xe5: {  	(erf) = vrcp.f32 v31  }
0xe6: {  	(erf) = vpow2.f32 v30;
	_ =	sdelay $0x4  }
0xe7: {  	v26 =	vadd.f32 v26, v33;
	_ =	sdelay $0x1  }
0xe8: {  	v26 =	vmul.f32 $1.999999960e-02, v26  }
0xe9: {  	v46 =	vpop (erf)  }
0xea: {  	v26 =	vsub.f32 $0.0e+00, v26;
	v47 =	vpop (erf)  }
0xeb: {  	v31 =	vadd.f32 $1.000000000e+00, v47  }
0xec: {  	v26 =	vmul.f32 $1.442695020e+00, v26  }
0xed: {  	(erf) = vrcp.f32 v31  }
0xee: {  	(erf) = vpow2.f32 v26;
	_ =	sdelay $0x4  }
0xef: {  	v22 =	vadd.f32 v22, v32;
	_ =	sdelay $0x1  }
0xf0: {  	v22 =	vmul.f32 $1.999999960e-02, v22  }
0xf1: {  	v48 =	vpop (erf)  }
0xf2: {  	v22 =	vsub.f32 $0.0e+00, v22;
	v49 =	vpop (erf)  }
0xf3: {  	v31 =	vadd.f32 $1.000000000e+00, v49  }
0xf4: {  	v22 =	vmul.f32 $1.442695020e+00, v22  }
0xf5: {  	(erf) = vrcp.f32 v31  }
0xf6: {  	(erf) = vpow2.f32 v22;
	_ =	sdelay $0x2  }
0xf7: {  	v50 =	vadd.f32 v29, v28;
	_ =	sdelay $0x1  }
0xf8: {  	v18 =	vadd.f32 v18, v50;
	_ =	sdelay $0x1  }
0xf9: {  	v18 =	vmul.f32 $1.999999960e-02, v18  }
0xfa: {  	v51 =	vpop (erf)  }
0xfb: {  	v18 =	vsub.f32 $0.0e+00, v18;
	v52 =	vpop (erf)  }
0xfc: {  	v28 =	vadd.f32 $1.000000000e+00, v52  }
0xfd: {  	v18 =	vmul.f32 $1.442695020e+00, v18  }
0xfe: {  	(erf) = vrcp.f32 v28  }
0xff: {  	(erf) = vpow2.f32 v18;
	_ =	sdelay $0x2  }
0x100: {  	v53 =	vadd.f32 v27, v24;
	_ =	sdelay $0x1  }
0x101: {  	v16 =	vadd.f32 v16, v53;
	_ =	sdelay $0x1  }
0x102: {  	v16 =	vmul.f32 $1.999999960e-02, v16  }
0x103: {  	v54 =	vpop (erf)  }
0x104: {  	v16 =	vsub.f32 $0.0e+00, v16;
	v55 =	vpop (erf)  }
0x105: {  	v24 =	vadd.f32 $1.000000000e+00, v55  }
0x106: {  	v16 =	vmul.f32 $1.442695020e+00, v16  }
0x107: {  	(erf) = vrcp.f32 v24  }
0x108: {  	(erf) = vpow2.f32 v16;
	_ =	sdelay $0x2  }
0x109: {  	v16 =	vadd.f32 v21, v20;
	_ =	sdelay $0x1  }
0x10a: {  	v16 =	vadd.f32 v25, v16;
	_ =	sdelay $0x1  }
0x10b: {  	v16 =	vmul.f32 $1.999999960e-02, v16  }
0x10c: {  	v56 =	vpop (erf)  }
0x10d: {  	v16 =	vsub.f32 $0.0e+00, v16;
	v57 =	vpop (erf)  }
0x10e: {  	v21 =	vadd.f32 $1.000000000e+00, v57  }
0x10f: {  	v16 =	vmul.f32 $1.442695020e+00, v16  }
0x110: {  	(erf) = vrcp.f32 v21  }
0x111: {  	(erf) = vpow2.f32 v16;
	_ =	sdelay $0x2  }
0x112: {  	v16 =	vadd.f32 v19, v17;
	_ =	sdelay $0x1  }
0x113: {  	v16 =	vadd.f32 v23, v16;
	_ =	sdelay $0x1  }
0x114: {  	v16 =	vmul.f32 $1.999999960e-02, v16  }
0x115: {  	v17 =	vpop (erf)  }
0x116: {  	v16 =	vsub.f32 $0.0e+00, v16;
	v58 =	vpop (erf)  }
0x117: {  	v19 =	vadd.f32 $1.000000000e+00, v58  }
0x118: {  	v16 =	vmul.f32 $1.442695020e+00, v16  }
0x119: {  	(erf) = vrcp.f32 v19  }
0x11a: {  	(erf) = vpow2.f32 v16;
	_ =	sdelay $0x7  }
0x11b: {  	v59 =	vmul.f32 v6, v46;
	v16 =	vpop (erf)  }
0x11c: {  	v60 =	vpop (erf)  }
0x11d: {  	v61 =	vmul.f32 v7, v48;
	v19 =	vadd.f32 $0.0e+00, v59;
	v21 =	vadd.f32 $1.000000000e+00, v60;
	_ =	sdelay $0x1  }
0x11e: {  	v22 =	vmul.f32 v8, v51;
	v19 =	vadd.f32 v61, v19;
	(erf) = vrcp.f32 v21;
	_ =	sdelay $0x1  }
0x11f: {  	v18 =	vmul.f32 v9, v54;
	v19 =	vadd.f32 v22, v19;
	_ =	sdelay $0x1  }
0x120: {  	v62 =	vmul.f32 v10, v56;
	v18 =	vadd.f32 v18, v19;
	_ =	sdelay $0x1  }
0x121: {  	v17 =	vmul.f32 v11, v17;
	v18 =	vadd.f32 v62, v18;
	_ =	sdelay $0x1  }
0x122: {  	v17 =	vadd.f32 v17, v18;
	v16 =	vmul.f32 v12, v16  }
0x123: {  	v63 =	vpop (erf)  }
0x124: {  	v16 =	vadd.f32 v16, v17;
	v17 =	vmul.f32 v15, v63;
	_ =	sdelay $0x1  }
0x125: {  	v16 =	vadd.f32 v17, v16;
	_ =	sdelay $0x1  }
0x126: {  	v17 =	vperm.xlane v16, v0;
	_ =	sdelay $0x1  }
0x127: {  	v16 =	vadd.f32 v16, v17;
	_ =	sdelay $0x1  }
0x128: {  	v17 =	vperm.xlane v16, v1;
	_ =	sdelay $0x1  }
0x129: {  	v16 =	vadd.f32 v16, v17;
	_ =	sdelay $0x1  }
0x12a: {  	v17 =	vperm.xlane v16, v2;
	_ =	sdelay $0x1  }
0x12b: {  	s30 =	sor.u32 $0x4, s28;
	s28 =	sadd.s32 $0x1, s28;
	v16 =	vadd.f32 v16, v17  }
0x12c: {  	p1 =	sne.s32 s28, $0x4  }
.Ltmp3:
0x12d: {  	v17 =	vperm.xlane v16, v4;
	(pc) =	sbr.rel @p1 .LBB2_7-.Ltmp3, $4  }
0x12e: {  	_ = 	snop  }
0x12f: {  	v16 =	vadd.f32 v16, v17;
	v17 =	vmov s30  }
0x130: {  	vm0 =	veq.s32 v17, v5  }
0x131: {  	s29 =	sadd.s32 $0x1900, s29;
	v14 =	vsel vm0, v16, v14  }
0x132: {  	v6 =	vld [tilespmem:s25+$0x1AA00];
	_ =	sdelay $0x4  }
0x133: {  	v6 =	vadd.f32 v6, v14;
	_ =	sdelay $0x1  }
0x134: {  	s28 =	sadd.s32 @!p0 $0x3E8, s26;
	s29 =	simm.s32 @!p0 $0xC8;
	s30 =	simm.s32 @!p0 $0x7D00;
	[tilespmem:s25+$0x1AA00] =	vst v6  }
0x135: {  	[tilespmem:s30], [sflag:$0x2] =	stream.indirect.gather @!p0 [hbm4b:s1+s29], $0x80, s28, s29, $0xb8;
	[tilespmem:$0x1AA80] =	vst v63  }
0x136: {  	_ =	swait.ge [sflag:s20], $0x6400  }
0x137: {  	[sflag:s20] =	ssyncset.done $0x0  }
0x138: {  	[sflag:s20] =	ssyncadd.s32 $0xFFFF9C00  }
0x139: {  	v6 =	vld [tilespmem:$0x1A900]  }
0x13a: {  	v7 =	vld [tilespmem:$0x1A910]  }
0x13b: {  	v8 =	vld [tilespmem:$0x1A920]  }
0x13c: {  	v9 =	vld [tilespmem:$0x1A930]  }
0x13d: {  	v10 =	vld [tilespmem:$0x1A940]  }
0x13e: {  	v11 =	vld [tilespmem:$0x1A950]  }
0x13f: {  	v12 =	vld [tilespmem:$0x1A960]  }
0x140: {  	v13 =	vimm.f32 $0.0e+00;
	v14 =	vimm.f32 $0.0e+00;
	s28 =	simm.s32 $0x0;
	s29 =	simm.s32 $0xE180;
	v15 =	vld [tilespmem:$0x1A970]  }
.LBB2_11:
0x141: {  	v17 =	vld [tilespmem:s29+$0x0]  }
0x142: {  	v20 =	vld [tilespmem:s29+$0x10]  }
0x143: {  	v26 =	vld [tilespmem:s29+$0x20]  }
0x144: {  	v22 =	vld [tilespmem:s29+$0x30]  }
0x145: {  	v18 =	vld [tilespmem:s29+$0x40]  }
0x146: {  	v19 =	vld [tilespmem:s29+$0xFFFFFF80]  }
0x147: {  	v23 =	vld [tilespmem:s29+$0xFFFFFF90]  }
0x148: {  	v24 =	vld [tilespmem:s29+$0xFFFFFFA0]  }
0x149: {  	v25 =	vld [tilespmem:s29+$0xFFFFFFB0]  }
0x14a: {  	v16 =	vld [tilespmem:s29+$0x50]  }
0x14b: {  	v29 =	vld [tilespmem:s29+$0xFFFFFFC0]  }
0x14c: {  	v27 =	vld [tilespmem:s29+$0xFFFFFFD0]  }
0x14d: {  	v21 =	vld [tilespmem:s29+$0xFFFFFFE0];
	v28 =	vadd.f32 v19, v13;
	v23 =	vadd.f32 v23, v13  }
0x14e: {  	v19 =	vld [tilespmem:s29+$0xFFFFFFF0];
	v33 =	vadd.f32 v24, v13;
	v32 =	vadd.f32 v25, v13  }
0x14f: {  	v25 =	vld [tilespmem:s29+$0x60];
	v24 =	vimm.f32 $0.0e+00;
	v31 =	vadd.f32 v17, v28;
	v30 =	vadd.f32 v20, v23  }
0x150: {  	s30 =	simm.s32 $0x0;
	s31 =	sadd.s32 $0x100, s29;
	v28 =	vimm.f32 $0.0e+00;
	v23 =	vld [tilespmem:s29+$0x70];
	v20 =	vimm.f32 $0.0e+00;
	v17 =	vimm.f32 $0.0e+00  }
.LBB2_12:
0x151: {  	v34 =	vld [tilespmem:s31+$0x0];
	v33 =	vadd.f32 v26, v33;
	v32 =	vadd.f32 v22, v32  }
0x152: {  	v28 =	vadd.f32 v29, v28;
	v24 =	vadd.f32 v27, v24;
	v35 =	vld [tilespmem:s31+$0x10]  }
0x153: {  	v20 =	vadd.f32 v21, v20;
	v26 =	vld [tilespmem:s31+$0x20];
	v17 =	vadd.f32 v19, v17  }
0x154: {  	v28 =	vadd.f32 v18, v28;
	v24 =	vadd.f32 v16, v24;
	v22 =	vld [tilespmem:s31+$0x30]  }
0x155: {  	v20 =	vadd.f32 v25, v20;
	v18 =	vld [tilespmem:s31+$0x40];
	v17 =	vadd.f32 v23, v17  }
0x156: {  	v16 =	vld [tilespmem:s31+$0x50]  }
0x157: {  	v19 =	vld [tilespmem:s31+$0xFFFFFF80]  }
0x158: {  	v23 =	vld [tilespmem:s31+$0xFFFFFF90]  }
0x159: {  	v25 =	vld [tilespmem:s31+$0xFFFFFFA0]  }
0x15a: {  	s30 =	sadd.s32 $0x2, s30;
	v36 =	vld [tilespmem:s31+$0xFFFFFFB0]  }
0x15b: {  	p1 =	slt.u32 s30, $0x30;
	v29 =	vld [tilespmem:s31+$0xFFFFFFC0]  }
.Ltmp4:
0x15c: {  	v27 =	vld [tilespmem:s31+$0xFFFFFFD0];
	(pc) =	sbr.rel @p1 .LBB2_12-.Ltmp4, $4  }
0x15d: {  	v21 =	vld [tilespmem:s31+$0xFFFFFFE0]  }
0x15e: {  	v31 =	vadd.f32 v19, v31;
	v23 =	vadd.f32 v23, v30;
	v19 =	vld [tilespmem:s31+$0xFFFFFFF0]  }
0x15f: {  	v33 =	vadd.f32 v25, v33;
	v32 =	vadd.f32 v36, v32;
	v25 =	vld [tilespmem:s31+$0x60]  }
0x160: {  	v31 =	vadd.f32 v34, v31;
	v30 =	vadd.f32 v35, v23;
	v23 =	vld [tilespmem:s31+$0x70];
	s31 =	sadd.s32 $0x100, s31  }
0x161: {  	_ = 	snop  }
0x162: {  	v31 =	vmul.f32 $1.999999960e-02, v31;
	_ =	sdelay $0x1  }
0x163: {  	v31 =	vsub.f32 $0.0e+00, v31;
	_ =	sdelay $0x1  }
0x164: {  	v31 =	vmul.f32 $1.442695020e+00, v31;
	_ =	sdelay $0x1  }
0x165: {  	(erf) = vpow2.f32 v31;
	_ =	sdelay $0x6  }
0x166: {  	v30 =	vmul.f32 $1.999999960e-02, v30;
	_ =	sdelay $0x1  }
0x167: {  	v30 =	vsub.f32 $0.0e+00, v30;
	v31 =	vpop (erf)  }
0x168: {  	v31 =	vadd.f32 $1.000000000e+00, v31  }
0x169: {  	v30 =	vmul.f32 $1.442695020e+00, v30  }
0x16a: {  	(erf) = vrcp.f32 v31  }
0x16b: {  	(erf) = vpow2.f32 v30;
	_ =	sdelay $0x4  }
0x16c: {  	v26 =	vadd.f32 v26, v33;
	_ =	sdelay $0x1  }
0x16d: {  	v26 =	vmul.f32 $1.999999960e-02, v26  }
0x16e: {  	v46 =	vpop (erf)  }
0x16f: {  	v26 =	vsub.f32 $0.0e+00, v26;
	v47 =	vpop (erf)  }
0x170: {  	v31 =	vadd.f32 $1.000000000e+00, v47  }
0x171: {  	v26 =	vmul.f32 $1.442695020e+00, v26  }
0x172: {  	(erf) = vrcp.f32 v31  }
0x173: {  	(erf) = vpow2.f32 v26;
	_ =	sdelay $0x4  }
0x174: {  	v22 =	vadd.f32 v22, v32;
	_ =	sdelay $0x1  }
0x175: {  	v22 =	vmul.f32 $1.999999960e-02, v22  }
0x176: {  	v48 =	vpop (erf)  }
0x177: {  	v22 =	vsub.f32 $0.0e+00, v22;
	v49 =	vpop (erf)  }
0x178: {  	v31 =	vadd.f32 $1.000000000e+00, v49  }
0x179: {  	v22 =	vmul.f32 $1.442695020e+00, v22  }
0x17a: {  	(erf) = vrcp.f32 v31  }
0x17b: {  	(erf) = vpow2.f32 v22;
	_ =	sdelay $0x2  }
0x17c: {  	v50 =	vadd.f32 v29, v28;
	_ =	sdelay $0x1  }
0x17d: {  	v18 =	vadd.f32 v18, v50;
	_ =	sdelay $0x1  }
0x17e: {  	v18 =	vmul.f32 $1.999999960e-02, v18  }
0x17f: {  	v51 =	vpop (erf)  }
0x180: {  	v18 =	vsub.f32 $0.0e+00, v18;
	v52 =	vpop (erf)  }
0x181: {  	v28 =	vadd.f32 $1.000000000e+00, v52  }
0x182: {  	v18 =	vmul.f32 $1.442695020e+00, v18  }
0x183: {  	(erf) = vrcp.f32 v28  }
0x184: {  	(erf) = vpow2.f32 v18;
	_ =	sdelay $0x2  }
0x185: {  	v53 =	vadd.f32 v27, v24;
	_ =	sdelay $0x1  }
0x186: {  	v16 =	vadd.f32 v16, v53;
	_ =	sdelay $0x1  }
0x187: {  	v16 =	vmul.f32 $1.999999960e-02, v16  }
0x188: {  	v54 =	vpop (erf)  }
0x189: {  	v16 =	vsub.f32 $0.0e+00, v16;
	v55 =	vpop (erf)  }
0x18a: {  	v24 =	vadd.f32 $1.000000000e+00, v55  }
0x18b: {  	v16 =	vmul.f32 $1.442695020e+00, v16  }
0x18c: {  	(erf) = vrcp.f32 v24  }
0x18d: {  	(erf) = vpow2.f32 v16;
	_ =	sdelay $0x2  }
0x18e: {  	v16 =	vadd.f32 v21, v20;
	_ =	sdelay $0x1  }
0x18f: {  	v16 =	vadd.f32 v25, v16;
	_ =	sdelay $0x1  }
0x190: {  	v16 =	vmul.f32 $1.999999960e-02, v16  }
0x191: {  	v56 =	vpop (erf)  }
0x192: {  	v16 =	vsub.f32 $0.0e+00, v16;
	v57 =	vpop (erf)  }
0x193: {  	v21 =	vadd.f32 $1.000000000e+00, v57  }
0x194: {  	v16 =	vmul.f32 $1.442695020e+00, v16  }
0x195: {  	(erf) = vrcp.f32 v21  }
0x196: {  	(erf) = vpow2.f32 v16;
	_ =	sdelay $0x2  }
0x197: {  	v16 =	vadd.f32 v19, v17;
	_ =	sdelay $0x1  }
0x198: {  	v16 =	vadd.f32 v23, v16;
	_ =	sdelay $0x1  }
0x199: {  	v16 =	vmul.f32 $1.999999960e-02, v16  }
0x19a: {  	v17 =	vpop (erf)  }
0x19b: {  	v16 =	vsub.f32 $0.0e+00, v16;
	v58 =	vpop (erf)  }
0x19c: {  	v19 =	vadd.f32 $1.000000000e+00, v58  }
0x19d: {  	v16 =	vmul.f32 $1.442695020e+00, v16  }
0x19e: {  	(erf) = vrcp.f32 v19  }
0x19f: {  	(erf) = vpow2.f32 v16;
	_ =	sdelay $0x7  }
0x1a0: {  	v59 =	vmul.f32 v6, v46;
	v16 =	vpop (erf)  }
0x1a1: {  	v60 =	vpop (erf)  }
0x1a2: {  	v61 =	vmul.f32 v7, v48;
	v19 =	vadd.f32 $0.0e+00, v59;
	v21 =	vadd.f32 $1.000000000e+00, v60;
	_ =	sdelay $0x1  }
0x1a3: {  	v22 =	vmul.f32 v8, v51;
	v19 =	vadd.f32 v61, v19;
	(erf) = vrcp.f32 v21;
	_ =	sdelay $0x1  }
0x1a4: {  	v18 =	vmul.f32 v9, v54;
	v19 =	vadd.f32 v22, v19;
	_ =	sdelay $0x1  }
0x1a5: {  	v62 =	vmul.f32 v10, v56;
	v18 =	vadd.f32 v18, v19;
	_ =	sdelay $0x1  }
0x1a6: {  	v17 =	vmul.f32 v11, v17;
	v18 =	vadd.f32 v62, v18;
	_ =	sdelay $0x1  }
0x1a7: {  	v17 =	vadd.f32 v17, v18;
	v16 =	vmul.f32 v12, v16  }
0x1a8: {  	v63 =	vpop (erf)  }
0x1a9: {  	v16 =	vadd.f32 v16, v17;
	v17 =	vmul.f32 v15, v63;
	_ =	sdelay $0x1  }
0x1aa: {  	v16 =	vadd.f32 v17, v16;
	_ =	sdelay $0x1  }
0x1ab: {  	v17 =	vperm.xlane v16, v0;
	_ =	sdelay $0x1  }
0x1ac: {  	v16 =	vadd.f32 v16, v17;
	_ =	sdelay $0x1  }
0x1ad: {  	v17 =	vperm.xlane v16, v1;
	_ =	sdelay $0x1  }
0x1ae: {  	v16 =	vadd.f32 v16, v17;
	_ =	sdelay $0x1  }
0x1af: {  	v17 =	vperm.xlane v16, v2;
	_ =	sdelay $0x1  }
0x1b0: {  	s30 =	sor.u32 $0x8, s28;
	s28 =	sadd.s32 $0x1, s28;
	v16 =	vadd.f32 v16, v17  }
0x1b1: {  	p1 =	sne.s32 s28, $0x4  }
.Ltmp5:
0x1b2: {  	v17 =	vperm.xlane v16, v4;
	(pc) =	sbr.rel @p1 .LBB2_11-.Ltmp5, $4  }
0x1b3: {  	_ = 	snop  }
0x1b4: {  	v16 =	vadd.f32 v16, v17;
	v17 =	vmov s30  }
0x1b5: {  	vm0 =	veq.s32 v17, v5  }
0x1b6: {  	s29 =	sadd.s32 $0x1900, s29;
	v14 =	vsel vm0, v16, v14  }
0x1b7: {  	v6 =	vld [tilespmem:s25+$0x1AA00];
	_ =	sdelay $0x4  }
0x1b8: {  	v6 =	vadd.f32 v6, v14;
	_ =	sdelay $0x1  }
0x1b9: {  	s26 =	sadd.s32 @!p0 $0x4B0, s26;
	s28 =	simm.s32 @!p0 $0xC8;
	s29 =	simm.s32 @!p0 $0xE100;
	[tilespmem:s25+$0x1AA00] =	vst v6  }
0x1ba: {  	[tilespmem:s29], [sflag:$0x3] =	stream.indirect.gather @!p0 [hbm4b:s1+s28], $0x80, s26, s28, $0xb8;
	[tilespmem:$0x1AA80] =	vst v63  }
0x1bb: {  	_ =	swait.ge [sflag:s21], $0x6400  }
0x1bc: {  	[sflag:s21] =	ssyncset.done $0x0  }
0x1bd: {  	[sflag:s21] =	ssyncadd.s32 $0xFFFF9C00  }
0x1be: {  	v6 =	vld [tilespmem:$0x1A900]  }
0x1bf: {  	v7 =	vld [tilespmem:$0x1A910]  }
0x1c0: {  	v8 =	vld [tilespmem:$0x1A920]  }
0x1c1: {  	v9 =	vld [tilespmem:$0x1A930]  }
0x1c2: {  	v10 =	vld [tilespmem:$0x1A940]  }
0x1c3: {  	v11 =	vld [tilespmem:$0x1A950]  }
0x1c4: {  	v12 =	vld [tilespmem:$0x1A960]  }
0x1c5: {  	v13 =	vimm.f32 $0.0e+00;
	v14 =	vimm.f32 $0.0e+00;
	s26 =	simm.s32 $0x0;
	s28 =	simm.s32 $0x14580;
	v15 =	vld [tilespmem:$0x1A970]  }
.LBB2_15:
0x1c6: {  	v17 =	vld [tilespmem:s28+$0x0]  }
0x1c7: {  	v20 =	vld [tilespmem:s28+$0x10]  }
0x1c8: {  	v26 =	vld [tilespmem:s28+$0x20]  }
0x1c9: {  	v22 =	vld [tilespmem:s28+$0x30]  }
0x1ca: {  	v18 =	vld [tilespmem:s28+$0x40]  }
0x1cb: {  	v19 =	vld [tilespmem:s28+$0xFFFFFF80]  }
0x1cc: {  	v23 =	vld [tilespmem:s28+$0xFFFFFF90]  }
0x1cd: {  	v24 =	vld [tilespmem:s28+$0xFFFFFFA0]  }
0x1ce: {  	v25 =	vld [tilespmem:s28+$0xFFFFFFB0]  }
0x1cf: {  	v16 =	vld [tilespmem:s28+$0x50]  }
0x1d0: {  	v29 =	vld [tilespmem:s28+$0xFFFFFFC0]  }
0x1d1: {  	v27 =	vld [tilespmem:s28+$0xFFFFFFD0]  }
0x1d2: {  	v21 =	vld [tilespmem:s28+$0xFFFFFFE0];
	v28 =	vadd.f32 v19, v13;
	v23 =	vadd.f32 v23, v13  }
0x1d3: {  	v19 =	vld [tilespmem:s28+$0xFFFFFFF0];
	v33 =	vadd.f32 v24, v13;
	v32 =	vadd.f32 v25, v13  }
0x1d4: {  	v25 =	vld [tilespmem:s28+$0x60];
	v24 =	vimm.f32 $0.0e+00;
	v31 =	vadd.f32 v17, v28;
	v30 =	vadd.f32 v20, v23  }
0x1d5: {  	s29 =	simm.s32 $0x0;
	s30 =	sadd.s32 $0x100, s28;
	v28 =	vimm.f32 $0.0e+00;
	v23 =	vld [tilespmem:s28+$0x70];
	v20 =	vimm.f32 $0.0e+00;
	v17 =	vimm.f32 $0.0e+00  }
.LBB2_16:
0x1d6: {  	v34 =	vld [tilespmem:s30+$0x0];
	v33 =	vadd.f32 v26, v33;
	v32 =	vadd.f32 v22, v32  }
0x1d7: {  	v28 =	vadd.f32 v29, v28;
	v24 =	vadd.f32 v27, v24;
	v35 =	vld [tilespmem:s30+$0x10]  }
0x1d8: {  	v20 =	vadd.f32 v21, v20;
	v26 =	vld [tilespmem:s30+$0x20];
	v17 =	vadd.f32 v19, v17  }
0x1d9: {  	v28 =	vadd.f32 v18, v28;
	v24 =	vadd.f32 v16, v24;
	v22 =	vld [tilespmem:s30+$0x30]  }
0x1da: {  	v20 =	vadd.f32 v25, v20;
	v18 =	vld [tilespmem:s30+$0x40];
	v17 =	vadd.f32 v23, v17  }
0x1db: {  	v16 =	vld [tilespmem:s30+$0x50]  }
0x1dc: {  	v19 =	vld [tilespmem:s30+$0xFFFFFF80]  }
0x1dd: {  	v23 =	vld [tilespmem:s30+$0xFFFFFF90]  }
0x1de: {  	v25 =	vld [tilespmem:s30+$0xFFFFFFA0]  }
0x1df: {  	s29 =	sadd.s32 $0x2, s29;
	v36 =	vld [tilespmem:s30+$0xFFFFFFB0]  }
0x1e0: {  	p0 =	slt.u32 s29, $0x30;
	v29 =	vld [tilespmem:s30+$0xFFFFFFC0]  }
.Ltmp6:
0x1e1: {  	v27 =	vld [tilespmem:s30+$0xFFFFFFD0];
	(pc) =	sbr.rel @p0 .LBB2_16-.Ltmp6, $4  }
0x1e2: {  	v21 =	vld [tilespmem:s30+$0xFFFFFFE0]  }
0x1e3: {  	v31 =	vadd.f32 v19, v31;
	v23 =	vadd.f32 v23, v30;
	v19 =	vld [tilespmem:s30+$0xFFFFFFF0]  }
0x1e4: {  	v33 =	vadd.f32 v25, v33;
	v32 =	vadd.f32 v36, v32;
	v25 =	vld [tilespmem:s30+$0x60]  }
0x1e5: {  	v31 =	vadd.f32 v34, v31;
	v30 =	vadd.f32 v35, v23;
	v23 =	vld [tilespmem:s30+$0x70];
	s30 =	sadd.s32 $0x100, s30  }
0x1e6: {  	_ = 	snop  }
0x1e7: {  	v31 =	vmul.f32 $1.999999960e-02, v31;
	_ =	sdelay $0x1  }
0x1e8: {  	v31 =	vsub.f32 $0.0e+00, v31;
	_ =	sdelay $0x1  }
0x1e9: {  	v31 =	vmul.f32 $1.442695020e+00, v31;
	_ =	sdelay $0x1  }
0x1ea: {  	(erf) = vpow2.f32 v31;
	_ =	sdelay $0x6  }
0x1eb: {  	v30 =	vmul.f32 $1.999999960e-02, v30;
	_ =	sdelay $0x1  }
0x1ec: {  	v30 =	vsub.f32 $0.0e+00, v30;
	v31 =	vpop (erf)  }
0x1ed: {  	v31 =	vadd.f32 $1.000000000e+00, v31  }
0x1ee: {  	v30 =	vmul.f32 $1.442695020e+00, v30  }
0x1ef: {  	(erf) = vrcp.f32 v31  }
0x1f0: {  	(erf) = vpow2.f32 v30;
	_ =	sdelay $0x4  }
0x1f1: {  	v26 =	vadd.f32 v26, v33;
	_ =	sdelay $0x1  }
0x1f2: {  	v26 =	vmul.f32 $1.999999960e-02, v26  }
0x1f3: {  	v46 =	vpop (erf)  }
0x1f4: {  	v26 =	vsub.f32 $0.0e+00, v26;
	v47 =	vpop (erf)  }
0x1f5: {  	v31 =	vadd.f32 $1.000000000e+00, v47  }
0x1f6: {  	v26 =	vmul.f32 $1.442695020e+00, v26  }
0x1f7: {  	(erf) = vrcp.f32 v31  }
0x1f8: {  	(erf) = vpow2.f32 v26;
	_ =	sdelay $0x4  }
0x1f9: {  	v22 =	vadd.f32 v22, v32;
	_ =	sdelay $0x1  }
0x1fa: {  	v22 =	vmul.f32 $1.999999960e-02, v22  }
0x1fb: {  	v48 =	vpop (erf)  }
0x1fc: {  	v22 =	vsub.f32 $0.0e+00, v22;
	v49 =	vpop (erf)  }
0x1fd: {  	v31 =	vadd.f32 $1.000000000e+00, v49  }
0x1fe: {  	v22 =	vmul.f32 $1.442695020e+00, v22  }
0x1ff: {  	(erf) = vrcp.f32 v31  }
0x200: {  	(erf) = vpow2.f32 v22;
	_ =	sdelay $0x2  }
0x201: {  	v50 =	vadd.f32 v29, v28;
	_ =	sdelay $0x1  }
0x202: {  	v18 =	vadd.f32 v18, v50;
	_ =	sdelay $0x1  }
0x203: {  	v18 =	vmul.f32 $1.999999960e-02, v18  }
0x204: {  	v51 =	vpop (erf)  }
0x205: {  	v18 =	vsub.f32 $0.0e+00, v18;
	v52 =	vpop (erf)  }
0x206: {  	v28 =	vadd.f32 $1.000000000e+00, v52  }
0x207: {  	v18 =	vmul.f32 $1.442695020e+00, v18  }
0x208: {  	(erf) = vrcp.f32 v28  }
0x209: {  	(erf) = vpow2.f32 v18;
	_ =	sdelay $0x2  }
0x20a: {  	v53 =	vadd.f32 v27, v24;
	_ =	sdelay $0x1  }
0x20b: {  	v16 =	vadd.f32 v16, v53;
	_ =	sdelay $0x1  }
0x20c: {  	v16 =	vmul.f32 $1.999999960e-02, v16  }
0x20d: {  	v54 =	vpop (erf)  }
0x20e: {  	v16 =	vsub.f32 $0.0e+00, v16;
	v55 =	vpop (erf)  }
0x20f: {  	v24 =	vadd.f32 $1.000000000e+00, v55  }
0x210: {  	v16 =	vmul.f32 $1.442695020e+00, v16  }
0x211: {  	(erf) = vrcp.f32 v24  }
0x212: {  	(erf) = vpow2.f32 v16;
	_ =	sdelay $0x2  }
0x213: {  	v16 =	vadd.f32 v21, v20;
	_ =	sdelay $0x1  }
0x214: {  	v16 =	vadd.f32 v25, v16;
	_ =	sdelay $0x1  }
0x215: {  	v16 =	vmul.f32 $1.999999960e-02, v16  }
0x216: {  	v56 =	vpop (erf)  }
0x217: {  	v16 =	vsub.f32 $0.0e+00, v16;
	v57 =	vpop (erf)  }
0x218: {  	v21 =	vadd.f32 $1.000000000e+00, v57  }
0x219: {  	v16 =	vmul.f32 $1.442695020e+00, v16  }
0x21a: {  	(erf) = vrcp.f32 v21  }
0x21b: {  	(erf) = vpow2.f32 v16;
	_ =	sdelay $0x2  }
0x21c: {  	v16 =	vadd.f32 v19, v17;
	_ =	sdelay $0x1  }
0x21d: {  	v16 =	vadd.f32 v23, v16;
	_ =	sdelay $0x1  }
0x21e: {  	v16 =	vmul.f32 $1.999999960e-02, v16  }
0x21f: {  	v17 =	vpop (erf)  }
0x220: {  	v16 =	vsub.f32 $0.0e+00, v16;
	v58 =	vpop (erf)  }
0x221: {  	v19 =	vadd.f32 $1.000000000e+00, v58  }
0x222: {  	v16 =	vmul.f32 $1.442695020e+00, v16  }
0x223: {  	(erf) = vrcp.f32 v19  }
0x224: {  	(erf) = vpow2.f32 v16;
	_ =	sdelay $0x7  }
0x225: {  	v59 =	vmul.f32 v6, v46;
	v16 =	vpop (erf)  }
0x226: {  	v60 =	vpop (erf)  }
0x227: {  	v61 =	vmul.f32 v7, v48;
	v19 =	vadd.f32 $0.0e+00, v59;
	v21 =	vadd.f32 $1.000000000e+00, v60;
	_ =	sdelay $0x1  }
0x228: {  	v22 =	vmul.f32 v8, v51;
	v19 =	vadd.f32 v61, v19;
	(erf) = vrcp.f32 v21;
	_ =	sdelay $0x1  }
0x229: {  	v18 =	vmul.f32 v9, v54;
	v19 =	vadd.f32 v22, v19;
	_ =	sdelay $0x1  }
0x22a: {  	v62 =	vmul.f32 v10, v56;
	v18 =	vadd.f32 v18, v19;
	_ =	sdelay $0x1  }
0x22b: {  	v17 =	vmul.f32 v11, v17;
	v18 =	vadd.f32 v62, v18;
	_ =	sdelay $0x1  }
0x22c: {  	v17 =	vadd.f32 v17, v18;
	v16 =	vmul.f32 v12, v16  }
0x22d: {  	v63 =	vpop (erf)  }
0x22e: {  	v16 =	vadd.f32 v16, v17;
	v17 =	vmul.f32 v15, v63;
	_ =	sdelay $0x1  }
0x22f: {  	v16 =	vadd.f32 v17, v16;
	_ =	sdelay $0x1  }
0x230: {  	v17 =	vperm.xlane v16, v0;
	_ =	sdelay $0x1  }
0x231: {  	v16 =	vadd.f32 v16, v17;
	_ =	sdelay $0x1  }
0x232: {  	v17 =	vperm.xlane v16, v1;
	_ =	sdelay $0x1  }
0x233: {  	v16 =	vadd.f32 v16, v17;
	_ =	sdelay $0x1  }
0x234: {  	v17 =	vperm.xlane v16, v2;
	_ =	sdelay $0x1  }
0x235: {  	s29 =	sor.u32 $0xC, s26;
	s26 =	sadd.s32 $0x1, s26;
	v16 =	vadd.f32 v16, v17  }
0x236: {  	p0 =	sne.s32 s26, $0x4  }
.Ltmp7:
0x237: {  	v17 =	vperm.xlane v16, v4;
	(pc) =	sbr.rel @p0 .LBB2_15-.Ltmp7, $4  }
0x238: {  	_ = 	snop  }
0x239: {  	v16 =	vadd.f32 v16, v17;
	v17 =	vmov s29  }
0x23a: {  	vm0 =	veq.s32 v17, v5  }
0x23b: {  	s28 =	sadd.s32 $0x1900, s28;
	v14 =	vsel vm0, v16, v14  }
0x23c: {  	v6 =	vld [tilespmem:s25+$0x1AA00]  }
0x23d: {  	s24 =	sadd.s32 $0x1, s24  }
0x23e: {  	p0 =	sne.s32 s24, $0x8  }
.Ltmp8:
0x23f: {  	_ = 	snop;
	(pc) =	sbr.rel @p0 .LBB2_2-.Ltmp8, $3  }
0x240: {  	_ = 	snop  }
0x241: {  	v6 =	vadd.f32 v6, v14;
	_ =	sdelay $0x1  }
0x242: {  	[tilespmem:s25+$0x1AA00] =	vst v6  }
0x243: {  	v6 =	vld [tilespmem:$0x1A980]  }
0x244: {  	v7 =	vld [tilespmem:$0x1AA00];
	_ =	sdelay $0x4  }
0x245: {  	v7 =	vadd.f32 v7, v6;
	_ =	sdelay $0x1  }
0x246: {  	v7 =	vsub.f32 $0.0e+00, v7;
	_ =	sdelay $0x1  }
0x247: {  	v7 =	vmul.f32 $1.442695020e+00, v7;
	_ =	sdelay $0x1  }
0x248: {  	(erf) = vpow2.f32 v7;
	_ =	sdelay $0x1  }
0x249: {  	v7 =	vld [tilespmem:$0x1AA10];
	_ =	sdelay $0x4  }
0x24a: {  	v7 =	vadd.f32 v7, v6;
	_ =	sdelay $0x1  }
0x24b: {  	v7 =	vsub.f32 $0.0e+00, v7;
	v8 =	vpop (erf)  }
0x24c: {  	v8 =	vadd.f32 $1.000000000e+00, v8  }
0x24d: {  	v7 =	vmul.f32 $1.442695020e+00, v7  }
0x24e: {  	(erf) = vrcp.f32 v8  }
0x24f: {  	(erf) = vpow2.f32 v7;
	_ =	sdelay $0x1  }
0x250: {  	v7 =	vld [tilespmem:$0x1AA20];
	_ =	sdelay $0x4  }
0x251: {  	v7 =	vadd.f32 v7, v6  }
0x252: {  	v8 =	vpop (erf)  }
0x253: {  	v7 =	vsub.f32 $0.0e+00, v7;
	v9 =	vpop (erf)  }
0x254: {  	v9 =	vadd.f32 $1.000000000e+00, v9  }
0x255: {  	v7 =	vmul.f32 $1.442695020e+00, v7  }
0x256: {  	(erf) = vrcp.f32 v9  }
0x257: {  	(erf) = vpow2.f32 v7;
	_ =	sdelay $0x1  }
0x258: {  	v7 =	vld [tilespmem:$0x1AA30];
	_ =	sdelay $0x4  }
0x259: {  	v7 =	vadd.f32 v7, v6  }
0x25a: {  	v9 =	vpop (erf)  }
0x25b: {  	v7 =	vsub.f32 $0.0e+00, v7;
	v10 =	vpop (erf)  }
0x25c: {  	v10 =	vadd.f32 $1.000000000e+00, v10  }
0x25d: {  	v7 =	vmul.f32 $1.442695020e+00, v7  }
0x25e: {  	(erf) = vrcp.f32 v10  }
0x25f: {  	(erf) = vpow2.f32 v7;
	_ =	sdelay $0x1  }
0x260: {  	v7 =	vld [tilespmem:$0x1AA40];
	_ =	sdelay $0x4  }
0x261: {  	v7 =	vadd.f32 v7, v6  }
0x262: {  	v10 =	vpop (erf)  }
0x263: {  	v7 =	vsub.f32 $0.0e+00, v7;
	v11 =	vpop (erf)  }
0x264: {  	v11 =	vadd.f32 $1.000000000e+00, v11  }
0x265: {  	v7 =	vmul.f32 $1.442695020e+00, v7  }
0x266: {  	(erf) = vrcp.f32 v11  }
0x267: {  	(erf) = vpow2.f32 v7;
	_ =	sdelay $0x1  }
0x268: {  	v7 =	vld [tilespmem:$0x1AA50];
	_ =	sdelay $0x4  }
0x269: {  	v7 =	vadd.f32 v7, v6  }
0x26a: {  	v11 =	vpop (erf)  }
0x26b: {  	v7 =	vsub.f32 $0.0e+00, v7;
	v12 =	vpop (erf)  }
0x26c: {  	v12 =	vadd.f32 $1.000000000e+00, v12  }
0x26d: {  	v7 =	vmul.f32 $1.442695020e+00, v7  }
0x26e: {  	(erf) = vrcp.f32 v12  }
0x26f: {  	(erf) = vpow2.f32 v7;
	_ =	sdelay $0x1  }
0x270: {  	v7 =	vld [tilespmem:$0x1AA60];
	_ =	sdelay $0x4  }
0x271: {  	v7 =	vadd.f32 v7, v6  }
0x272: {  	v12 =	vpop (erf)  }
0x273: {  	v7 =	vsub.f32 $0.0e+00, v7;
	v13 =	vpop (erf)  }
0x274: {  	v13 =	vadd.f32 $1.000000000e+00, v13  }
0x275: {  	v7 =	vmul.f32 $1.442695020e+00, v7  }
0x276: {  	(erf) = vrcp.f32 v13  }
0x277: {  	(erf) = vpow2.f32 v7;
	_ =	sdelay $0x1  }
0x278: {  	v7 =	vld [tilespmem:$0x1AA70];
	_ =	sdelay $0x4  }
0x279: {  	v6 =	vadd.f32 v7, v6  }
0x27a: {  	v7 =	vpop (erf)  }
0x27b: {  	v6 =	vsub.f32 $0.0e+00, v6;
	v62 =	vpop (erf)  }
0x27c: {  	v13 =	vadd.f32 $1.000000000e+00, v62  }
0x27d: {  	v6 =	vmul.f32 $1.442695020e+00, v6  }
0x27e: {  	(erf) = vrcp.f32 v13  }
0x27f: {  	(erf) = vpow2.f32 v6;
	_ =	sdelay $0x7  }
0x280: {  	v6 =	vpop (erf)  }
0x281: {  	v63 =	vpop (erf)  }
0x282: {  	v13 =	vadd.f32 $1.000000000e+00, v63;
	_ =	sdelay $0x1  }
0x283: {  	(erf) = vrcp.f32 v13;
	_ =	sdelay $0x2  }
0x284: {  	[tilespmem:$0x1AA00] =	vst v8  }
0x285: {  	[tilespmem:$0x1AA10] =	vst v9  }
0x286: {  	[tilespmem:$0x1AA20] =	vst v10  }
0x287: {  	[tilespmem:$0x1AA30] =	vst v11  }
0x288: {  	[tilespmem:$0x1AA40] =	vst v12  }
0x289: {  	s23 =	sadd.s32 $0x1, s23;
	[tilespmem:$0x1AA50] =	vst v7  }
0x28a: {  	p0 =	sne.s32 s23, s7;
	[tilespmem:$0x1AA60] =	vst v6;
	v6 =	vpop (erf)  }
.Ltmp9:
0x28b: {  	[tilespmem:$0x1AA70] =	vst v6;
	(pc) =	sbr.rel @p0 .LBB2_1-.Ltmp9, $4  }
0x28c: {  	[hbm4b:s6+s3] =	stream.linear.scatter [tilespmem:s22], [sflag:$0x5], $0x80, $0x38;
	[tilespmem:$0x1AA80] =	vst v63  }
0x28d: {  	_ =	swait.ge [sflag:s10], $0x80  }
0x28e: {  	[sflag:s10] =	ssyncset.done $0x0  }
0x28f: {  	[sflag:s10] =	ssyncadd.s32 $0xFFFFFF80  }
0x290: {  	_ =	sfence.sel $0x180000  }
0x291: {  	[bflag:$0x0] =	sbarrier.arrive $0xFFFF  }
0x292: {  	p0 =	sne.s32 s0, $0x0;
	_ =	strace $0x90000047  }
0x293: {  	s0 =	sadd.s32 @!p0 $0x100000, s2;
	[bflag:$0x2] =	sbarrier.arrive $0xFFFF  }
0x294: {  	[sflag:s0] =	ssyncadd.tile.s32 @!p0 $0x1;
	_ =	shalt  }
.Lfunc_end2:
_tile_overlayer_lowered:
.L_overlay_start_2:
0x295: {  	(tag) =	ssettag $0x2  }
0x296: {  	s0 =	rddreg [dreg:$0x0];
	s2 =	stileid.u32  }
0x297: {  	s1 =	rddreg [dreg:$0x1];
	p0 =	sne.s32 s2, $0x0  }
0x298: {  	s3 =	rddreg [dreg:$0x2];
	[bflag:$0x3] =	sbarrier.arrive $0xFFFF;
	s2 =	simm.s32 @!p0 $0x1C05  }
0x299: {  	[timem:s3], [sflag:s2] =	dma.local @!p0 [hbm:s0], s1  }
0x29a: {  	s0 =	simm.s32 @!p0 $0x5  }
0x29b: {  	_ =	swait.ge @!p0 [sflag:s0], s1  }
0x29c: {  	s1 =	ssub.s32 @!p0 $0x0, s1;
	[sflag:s0] =	ssyncset.done @!p0 $0x0  }
0x29d: {  	[sflag:s0] =	ssyncadd.s32 @!p0 s1  }
0x29e: {  	[bflag:$0x3] =	sbarrier.arrive $0xFFFF  }
0x29f: {  	_ =	shalt  }

</sc_bundles>
